<compile_context>
chip_gen: v7x
topology: tpu7x:2x2x1
jax: 0.10.2.dev20260603
libtpu: 0.0.44.dev20260713+nightly
codegen_flags: <defaults>
</compile_context>

<pallas_src>
import jax
import jax.numpy as jnp
from jax import lax
from jax.experimental import pallas as pl
from jax.experimental.pallas import tpu as pltpu
from jax.experimental.pallas import tpu_sc as plsc

TOPK = 256
ROWS = 64
COLS = 8192
LANES = 16
NBINS = 2048
SHIFT = 32 - 11
SUFMASK = (1 << SHIFT) - 1
NCHUNK = COLS // LANES
NBCHUNK = NBINS // LANES
NWORKERS = 32
ROWS_PER_W = ROWS // NWORKERS


def _ikey(fvec):
    i = lax.bitcast_convert_type(fvec, jnp.int32)
    m = lax.shift_right_arithmetic(i, 31)
    flip = jnp.bitwise_and(jnp.bitwise_not(m), jnp.int32(0x7FFFFFFF))
    return jnp.bitwise_xor(i, flip)


def _scalar(vec):
    return lax.reduce_max(vec, axes=(0,))


def _lane0(vec):
    return lax.squeeze(lax.slice(vec, (0,), (1,)), (0,))


def _topk_body(score_hbm, out_hbm, row_v, out_v, bins_v, ckey_v, cpos_v, sem):
    wid = lax.axis_index("s") * 2 + lax.axis_index("c")
    iota16 = lax.iota(jnp.int32, 16)
    zeros16 = jnp.zeros((LANES,), jnp.int32)
    ones16 = jnp.ones((LANES,), jnp.int32)
    onesf = jnp.ones((LANES,), jnp.float32)

    for r in range(ROWS_PER_W):
        row = wid * ROWS_PER_W + r
        pltpu.sync_copy(score_hbm.at[row], row_v)

        def zero_bins(i, carry):
            bins_v[pl.ds(i * LANES, LANES)] = zeros16
            return carry

        lax.fori_loop(0, NBCHUNK, zero_bins, 0, unroll=8)

        def hist(i, carry):
            f = row_v[pl.ds(i * LANES, LANES)]
            d = lax.shift_right_logical(_ikey(f), SHIFT)
            plsc.addupdate_scatter(bins_v, [d], ones16)
            return carry

        lax.fori_loop(0, NCHUNK, hist, 0, unroll=8)

        def scan_cond(c):
            i, _prev, found, _b, _rem = c
            return jnp.logical_and(i < NBCHUNK, jnp.logical_not(found))

        def scan_body(c):
            i, prev, found, b, rem = c
            bv = bins_v[pl.ds(i * LANES, LANES)]
            cs = plsc.cumsum(bv)
            s = cs + prev
            crossed = s >= TOPK
            anyc = jnp.any(crossed)
            j = plsc.all_reduce_ffs(crossed)
            excl = s - bv
            cum_b4 = _scalar(jnp.where(iota16 == j, excl, 0))
            b_new = i * LANES + _lane0(j)
            rem_new = TOPK - cum_b4
            total = lax.squeeze(lax.slice(cs, (15,), (16,)), (0,))
            return (
                i + 1,
                prev + total,
                anyc,
                jnp.where(anyc, b_new, b),
                jnp.where(anyc, rem_new, rem),
            )

        _, _, _, bkt, rem = lax.while_loop(
            scan_cond,
            scan_body,
            (jnp.int32(0), jnp.int32(0), False, jnp.int32(0), jnp.int32(0)),
        )

        def mask_compact(i, n):
            f = row_v[pl.ds(i * LANES, LANES)]
            ik = _ikey(f)
            d = lax.shift_right_logical(ik, SHIFT)
            out_v[pl.ds(i * LANES, LANES)] = jnp.where(d < bkt, 1.0, 0.0)
            eq = d == bkt
            suf = jnp.bitwise_and(ik, jnp.int32(SUFMASK))
            pos = iota16 + i * LANES
            plsc.store_compressed(ckey_v.at[pl.ds(n, LANES)], suf, mask=eq)
            plsc.store_compressed(cpos_v.at[pl.ds(n, LANES)], pos, mask=eq)
            return n + _lane0(plsc.all_reduce_population_count(eq))

        ncand = lax.fori_loop(0, NCHUNK, mask_compact, jnp.int32(0), unroll=4)

        ckey_v[pl.ds(ncand, LANES)] = jnp.full((LANES,), SUFMASK, jnp.int32)
        nvreg = (ncand + LANES - 1) // LANES

        def count_lt(t):
            def cnt(v, acc):
                s = ckey_v[pl.ds(v * LANES, LANES)]
                c = s < t
                return acc + _lane0(plsc.all_reduce_population_count(c))

            return lax.fori_loop(0, nvreg, cnt, jnp.int32(0))

        def bit_step(k, prefix):
            bit = SHIFT - 1 - k
            cand = jnp.bitwise_or(prefix, lax.shift_left(jnp.int32(1), bit))
            return jnp.where(count_lt(cand) >= rem, prefix, cand)

        thr = lax.fori_loop(0, SHIFT, bit_step, jnp.int32(0))
        ties_needed = rem - count_lt(thr)

        def fin(v, base):
            s = ckey_v[pl.ds(v * LANES, LANES)]
            p = cpos_v[pl.ds(v * LANES, LANES)]
            valid = (iota16 + v * LANES) < ncand
            lt = jnp.logical_and(s < thr, valid)
            eq = jnp.logical_and(s == thr, valid)
            rank = plsc.cumsum(eq.astype(jnp.int32)) + base
            sel = jnp.logical_or(lt, jnp.logical_and(eq, rank <= ties_needed))
            plsc.store_scatter(out_v, [p], onesf, mask=sel)
            return base + _lane0(plsc.all_reduce_population_count(eq))

        lax.fori_loop(0, nvreg, fin, jnp.int32(0))

        pltpu.sync_copy(out_v, out_hbm.at[row])


@jax.jit
def kernel(score):
    mesh = plsc.VectorSubcoreMesh(
        core_axis_name="c", subcore_axis_name="s", num_cores=2, num_subcores=16
    )
    return pl.kernel(
        _topk_body,
        out_type=jax.ShapeDtypeStruct((ROWS, COLS), jnp.float32),
        mesh=mesh,
        compiler_params=pltpu.CompilerParams(
            needs_layout_passes=False,
            disable_bounds_checks=True,
            disable_semaphore_checks=True,
        ),
        scratch_types=[
            pltpu.VMEM((COLS,), jnp.float32),
            pltpu.VMEM((COLS,), jnp.float32),
            pltpu.VMEM((NBINS,), jnp.int32),
            pltpu.VMEM((COLS + LANES,), jnp.int32),
            pltpu.VMEM((COLS + LANES,), jnp.int32),
            pltpu.SemaphoreType.DMA,
        ],
    )(score)

# --- scband reference (transcript-rebuilt; emitter-appended) ---
"""Pipeline reference for scband-selecter-topk-5205500362802 (READ-ONLY COPY).

The authoritative reference and input builder live on the scoring server;
editing this copy changes nothing except your own understanding.
"""

import jax, jax.numpy as jnp
import numpy as np

K = 256

def setup_inputs(seed: int = 0) -> dict:
    key = jax.random.key(seed)
    score = jax.random.normal(key, (64, 8192), dtype=jnp.float32)
    return {"score": score}

def reference(score):
    # SelecterTopk.forward with k=256, p=None:
    # result = zeros_like(score); scatter 1 at top-k indices along dim=1
    bsz, slen = score.shape
    _, top_indices = jax.lax.top_k(score, K)
    result = jnp.zeros_like(score)
    rows = jnp.arange(bsz)[:, None]
    result = result.at[rows, top_indices].set(1.0)
    return result

if __name__ == "__main__":
    import jax
    _d = setup_inputs()
    print(jax.jit(kernel)(*tuple(_d.values())))

</pallas_src>

<mosaic_0001>
#map = affine_map<(d0, d1) -> (0, 0)>
module attributes {stable_mosaic.version = 14 : i64} {
  func.func @_topk_body(%arg0: i32, %arg1: i32, %arg2: memref<64x8192xf32, #tpu.memory_space<hbm>>, %arg3: memref<64x8192xf32, #tpu.memory_space<hbm>>, %arg4: memref<8192xf32, #tpu.memory_space<vmem>>, %arg5: memref<8192xf32, #tpu.memory_space<vmem>>, %arg6: memref<2048xi32, #tpu.memory_space<vmem>>, %arg7: memref<8208xi32, #tpu.memory_space<vmem>>, %arg8: memref<8208xi32, #tpu.memory_space<vmem>>, %arg9: memref<!tpu.dma_semaphore, #tpu.memory_space<semaphore_mem>>) attributes {dimension_semantics = [#tpu.dimension_semantics<core_parallel>, #tpu.dimension_semantics<subcore_parallel>], iteration_bounds = array<i64: 2, 16>, scalar_prefetch = 0 : i64, scratch_operands = 6 : i64, tpu.core_type = #tpu.core_type<sc_vector_subcore>, window_params = [{transform_indices = #map}, {transform_indices = #map}]} {
    %mul3A = arith.constant 2 : i32
    %mul3A_0 = arith.muli %arg1, %mul3A : i32
    %add3A = arith.addi %mul3A_0, %arg0 : i32
    %iota3A = tpu.iota {dimensions = array<i32: 0>} : vector<16xi32>
    %broadcast_in_dim3A = arith.constant 0 : i32
    %broadcast_in_dim3A_1 = vector.broadcast %broadcast_in_dim3A : i32 to vector<16xi32>
    %broadcast_in_dim3A_2 = arith.constant 1 : i32
    %broadcast_in_dim3A_3 = vector.broadcast %broadcast_in_dim3A_2 : i32 to vector<16xi32>
    %broadcast_in_dim3A_4 = arith.constant 1.000000e+00 : f32
    %broadcast_in_dim3A_5 = vector.broadcast %broadcast_in_dim3A_4 : f32 to vector<16xf32>
    %mul3A_6 = arith.constant 2 : i32
    %mul3A_7 = arith.muli %add3A, %mul3A_6 : i32
    %add3A_8 = arith.constant 0 : i32
    %add3A_9 = arith.addi %mul3A_7, %add3A_8 : i32
    "tpu.region"() ({
      %run_scoped3A = tpu.sem_alloc : memref<!tpu.dma_semaphore, #tpu.memory_space<semaphore_mem>>
      %dma_start3A = arith.constant 0 : i32
      %dma_start3A_181 = tpu.memref_slice %arg2[%add3A_9, %dma_start3A] : memref<64x8192xf32, #tpu.memory_space<hbm>> -> memref<1x8192xf32, #tpu.memory_space<hbm>>
      %dma_start3A_182 = tpu.memref_squeeze %dma_start3A_181 : memref<1x8192xf32, #tpu.memory_space<hbm>> -> memref<8192xf32, #tpu.memory_space<hbm>>
      %dma_start3A_183 = arith.constant 0 : i32
      %dma_start3A_184 = tpu.memref_slice %arg2[%add3A_9, %dma_start3A_183] : memref<64x8192xf32, #tpu.memory_space<hbm>> -> memref<1x8192xf32, #tpu.memory_space<hbm>>
      %dma_start3A_185 = tpu.memref_squeeze %dma_start3A_184 : memref<1x8192xf32, #tpu.memory_space<hbm>> -> memref<8192xf32, #tpu.memory_space<hbm>>
      tpu.enqueue_dma source(%dma_start3A_185 : memref<8192xf32, #tpu.memory_space<hbm>>) target(%arg4 : memref<8192xf32, #tpu.memory_space<vmem>>) target_semaphore(%run_scoped3A : memref<!tpu.dma_semaphore, #tpu.memory_space<semaphore_mem>>)
      %dma_wait3A = arith.constant 0 : i32
      %dma_wait3A_186 = tpu.memref_slice %arg2[%add3A_9, %dma_wait3A] : memref<64x8192xf32, #tpu.memory_space<hbm>> -> memref<1x8192xf32, #tpu.memory_space<hbm>>
      %dma_wait3A_187 = tpu.memref_squeeze %dma_wait3A_186 : memref<1x8192xf32, #tpu.memory_space<hbm>> -> memref<8192xf32, #tpu.memory_space<hbm>>
      %dma_wait3A_188 = arith.constant 0 : i32
      %dma_wait3A_189 = tpu.memref_slice %arg2[%add3A_9, %dma_wait3A_188] : memref<64x8192xf32, #tpu.memory_space<hbm>> -> memref<1x8192xf32, #tpu.memory_space<hbm>>
      %dma_wait3A_190 = tpu.memref_squeeze %dma_wait3A_189 : memref<1x8192xf32, #tpu.memory_space<hbm>> -> memref<8192xf32, #tpu.memory_space<hbm>>
      tpu.wait_dma2 semaphore(%run_scoped3A : memref<!tpu.dma_semaphore, #tpu.memory_space<semaphore_mem>>) src(%dma_wait3A_190 : memref<8192xf32, #tpu.memory_space<hbm>>) dst(%arg4 : memref<8192xf32, #tpu.memory_space<vmem>>)
      tpu.yield
    }) : () -> ()
    %scan3A = arith.constant 0 : i32
    %scan3A_10 = arith.constant 0 : i32
    %scan3A_11 = arith.constant 128 : i32
    %scan3A_12 = arith.addi %scan3A_10, %scan3A_11 : i32
    %scan3A_13 = arith.constant 8 : i32
    scf.for %scan3A_181 = %scan3A_10 to %scan3A_12 step %scan3A_13  : i32 {
      %mul3A_182 = arith.constant 16 : i32
      %mul3A_183 = arith.muli %scan3A_181, %mul3A_182 : i32
      %swap3A_184 = arith.index_cast %mul3A_183 : i32 to index
      %swap3A_185 = tpu.vector_load %arg6[%swap3A_184] {strides = array<i32>} : memref<2048xi32, #tpu.memory_space<vmem>>, vector<16xi32>,
      tpu.vector_store %arg6[%swap3A_184], %broadcast_in_dim3A_1 {strides = array<i32>} : memref<2048xi32, #tpu.memory_space<vmem>>, vector<16xi32>,
      %scan3A_186 = arith.constant 1 : i32
      %scan3A_187 = arith.addi %scan3A_181, %scan3A_186 : i32
      %mul3A_188 = arith.constant 16 : i32
      %mul3A_189 = arith.muli %scan3A_187, %mul3A_188 : i32
      %swap3A_190 = arith.index_cast %mul3A_189 : i32 to index
      %swap3A_191 = tpu.vector_load %arg6[%swap3A_190] {strides = array<i32>} : memref<2048xi32, #tpu.memory_space<vmem>>, vector<16xi32>,
      tpu.vector_store %arg6[%swap3A_190], %broadcast_in_dim3A_1 {strides = array<i32>} : memref<2048xi32, #tpu.memory_space<vmem>>, vector<16xi32>,
      %scan3A_192 = arith.constant 2 : i32
      %scan3A_193 = arith.addi %scan3A_181, %scan3A_192 : i32
      %mul3A_194 = arith.constant 16 : i32
      %mul3A_195 = arith.muli %scan3A_193, %mul3A_194 : i32
      %swap3A_196 = arith.index_cast %mul3A_195 : i32 to index
      %swap3A_197 = tpu.vector_load %arg6[%swap3A_196] {strides = array<i32>} : memref<2048xi32, #tpu.memory_space<vmem>>, vector<16xi32>,
      tpu.vector_store %arg6[%swap3A_196], %broadcast_in_dim3A_1 {strides = array<i32>} : memref<2048xi32, #tpu.memory_space<vmem>>, vector<16xi32>,
      %scan3A_198 = arith.constant 3 : i32
      %scan3A_199 = arith.addi %scan3A_181, %scan3A_198 : i32
      %mul3A_200 = arith.constant 16 : i32
      %mul3A_201 = arith.muli %scan3A_199, %mul3A_200 : i32
      %swap3A_202 = arith.index_cast %mul3A_201 : i32 to index
      %swap3A_203 = tpu.vector_load %arg6[%swap3A_202] {strides = array<i32>} : memref<2048xi32, #tpu.memory_space<vmem>>, vector<16xi32>,
      tpu.vector_store %arg6[%swap3A_202], %broadcast_in_dim3A_1 {strides = array<i32>} : memref<2048xi32, #tpu.memory_space<vmem>>, vector<16xi32>,
      %scan3A_204 = arith.constant 4 : i32
      %scan3A_205 = arith.addi %scan3A_181, %scan3A_204 : i32
      %mul3A_206 = arith.constant 16 : i32
      %mul3A_207 = arith.muli %scan3A_205, %mul3A_206 : i32
      %swap3A_208 = arith.index_cast %mul3A_207 : i32 to index
      %swap3A_209 = tpu.vector_load %arg6[%swap3A_208] {strides = array<i32>} : memref<2048xi32, #tpu.memory_space<vmem>>, vector<16xi32>,
      tpu.vector_store %arg6[%swap3A_208], %broadcast_in_dim3A_1 {strides = array<i32>} : memref<2048xi32, #tpu.memory_space<vmem>>, vector<16xi32>,
      %scan3A_210 = arith.constant 5 : i32
      %scan3A_211 = arith.addi %scan3A_181, %scan3A_210 : i32
      %mul3A_212 = arith.constant 16 : i32
      %mul3A_213 = arith.muli %scan3A_211, %mul3A_212 : i32
      %swap3A_214 = arith.index_cast %mul3A_213 : i32 to index
      %swap3A_215 = tpu.vector_load %arg6[%swap3A_214] {strides = array<i32>} : memref<2048xi32, #tpu.memory_space<vmem>>, vector<16xi32>,
      tpu.vector_store %arg6[%swap3A_214], %broadcast_in_dim3A_1 {strides = array<i32>} : memref<2048xi32, #tpu.memory_space<vmem>>, vector<16xi32>,
      %scan3A_216 = arith.constant 6 : i32
      %scan3A_217 = arith.addi %scan3A_181, %scan3A_216 : i32
      %mul3A_218 = arith.constant 16 : i32
      %mul3A_219 = arith.muli %scan3A_217, %mul3A_218 : i32
      %swap3A_220 = arith.index_cast %mul3A_219 : i32 to index
      %swap3A_221 = tpu.vector_load %arg6[%swap3A_220] {strides = array<i32>} : memref<2048xi32, #tpu.memory_space<vmem>>, vector<16xi32>,
      tpu.vector_store %arg6[%swap3A_220], %broadcast_in_dim3A_1 {strides = array<i32>} : memref<2048xi32, #tpu.memory_space<vmem>>, vector<16xi32>,
      %scan3A_222 = arith.constant 7 : i32
      %scan3A_223 = arith.addi %scan3A_181, %scan3A_222 : i32
      %mul3A_224 = arith.constant 16 : i32
      %mul3A_225 = arith.muli %scan3A_223, %mul3A_224 : i32
      %swap3A_226 = arith.index_cast %mul3A_225 : i32 to index
      %swap3A_227 = tpu.vector_load %arg6[%swap3A_226] {strides = array<i32>} : memref<2048xi32, #tpu.memory_space<vmem>>, vector<16xi32>,
      tpu.vector_store %arg6[%swap3A_226], %broadcast_in_dim3A_1 {strides = array<i32>} : memref<2048xi32, #tpu.memory_space<vmem>>, vector<16xi32>,
    }
    %scan3A_14 = arith.constant 128 : i32
    %scan3A_15 = arith.constant 0 : i32
    %scan3A_16 = arith.constant 0 : i32
    %scan3A_17 = arith.constant 512 : i32
    %scan3A_18 = arith.addi %scan3A_16, %scan3A_17 : i32
    %scan3A_19 = arith.constant 8 : i32
    scf.for %scan3A_181 = %scan3A_16 to %scan3A_18 step %scan3A_19  : i32 {
      %mul3A_182 = arith.constant 16 : i32
      %mul3A_183 = arith.muli %scan3A_181, %mul3A_182 : i32
      %get3A = arith.index_cast %mul3A_183 : i32 to index
      %get3A_184 = tpu.vector_load %arg4[%get3A] {strides = array<i32>} : memref<8192xf32, #tpu.memory_space<vmem>>, vector<16xf32>,
      %bitcast_convert_type3A = tpu.bitcast %get3A_184 : vector<16xf32> -> vector<16xi32>
      %shift_right_arithmetic3A = arith.constant 31 : i32
      %shift_right_arithmetic3A_185 = vector.broadcast %shift_right_arithmetic3A : i32 to vector<16xi32>
      %shift_right_arithmetic3A_186 = arith.shrsi %bitcast_convert_type3A, %shift_right_arithmetic3A_185 : vector<16xi32>
      %not3A = arith.constant dense<-1> : vector<16xi32>
      %not3A_187 = arith.xori %shift_right_arithmetic3A_186, %not3A : vector<16xi32>
      %and3A_188 = arith.constant 2147483647 : i32
      %and3A_189 = vector.broadcast %and3A_188 : i32 to vector<16xi32>
      %and3A_190 = arith.andi %not3A_187, %and3A_189 : vector<16xi32>
      %xor3A = arith.xori %bitcast_convert_type3A, %and3A_190 : vector<16xi32>
      %shift_right_logical3A = arith.constant 21 : i32
      %shift_right_logical3A_191 = vector.broadcast %shift_right_logical3A : i32 to vector<16xi32>
      %shift_right_logical3A_192 = arith.shrui %xor3A, %shift_right_logical3A_191 : vector<16xi32>
      tpu.vector_store_idx %arg6[%shift_right_logical3A_192], %broadcast_in_dim3A_3 {add = true} : memref<2048xi32, #tpu.memory_space<vmem>>[vector<16xi32>], vector<16xi32>,
      %scan3A_193 = arith.constant 1 : i32
      %scan3A_194 = arith.addi %scan3A_181, %scan3A_193 : i32
      %mul3A_195 = arith.constant 16 : i32
      %mul3A_196 = arith.muli %scan3A_194, %mul3A_195 : i32
      %get3A_197 = arith.index_cast %mul3A_196 : i32 to index
      %get3A_198 = tpu.vector_load %arg4[%get3A_197] {strides = array<i32>} : memref<8192xf32, #tpu.memory_space<vmem>>, vector<16xf32>,
      %bitcast_convert_type3A_199 = tpu.bitcast %get3A_198 : vector<16xf32> -> vector<16xi32>
      %shift_right_arithmetic3A_200 = arith.constant 31 : i32
      %shift_right_arithmetic3A_201 = vector.broadcast %shift_right_arithmetic3A_200 : i32 to vector<16xi32>
      %shift_right_arithmetic3A_202 = arith.shrsi %bitcast_convert_type3A_199, %shift_right_arithmetic3A_201 : vector<16xi32>
      %not3A_203 = arith.constant dense<-1> : vector<16xi32>
      %not3A_204 = arith.xori %shift_right_arithmetic3A_202, %not3A_203 : vector<16xi32>
      %and3A_205 = arith.constant 2147483647 : i32
      %and3A_206 = vector.broadcast %and3A_205 : i32 to vector<16xi32>
      %and3A_207 = arith.andi %not3A_204, %and3A_206 : vector<16xi32>
      %xor3A_208 = arith.xori %bitcast_convert_type3A_199, %and3A_207 : vector<16xi32>
      %shift_right_logical3A_209 = arith.constant 21 : i32
      %shift_right_logical3A_210 = vector.broadcast %shift_right_logical3A_209 : i32 to vector<16xi32>
      %shift_right_logical3A_211 = arith.shrui %xor3A_208, %shift_right_logical3A_210 : vector<16xi32>
      tpu.vector_store_idx %arg6[%shift_right_logical3A_211], %broadcast_in_dim3A_3 {add = true} : memref<2048xi32, #tpu.memory_space<vmem>>[vector<16xi32>], vector<16xi32>,
      %scan3A_212 = arith.constant 2 : i32
      %scan3A_213 = arith.addi %scan3A_181, %scan3A_212 : i32
      %mul3A_214 = arith.constant 16 : i32
      %mul3A_215 = arith.muli %scan3A_213, %mul3A_214 : i32
      %get3A_216 = arith.index_cast %mul3A_215 : i32 to index
      %get3A_217 = tpu.vector_load %arg4[%get3A_216] {strides = array<i32>} : memref<8192xf32, #tpu.memory_space<vmem>>, vector<16xf32>,
      %bitcast_convert_type3A_218 = tpu.bitcast %get3A_217 : vector<16xf32> -> vector<16xi32>
      %shift_right_arithmetic3A_219 = arith.constant 31 : i32
      %shift_right_arithmetic3A_220 = vector.broadcast %shift_right_arithmetic3A_219 : i32 to vector<16xi32>
      %shift_right_arithmetic3A_221 = arith.shrsi %bitcast_convert_type3A_218, %shift_right_arithmetic3A_220 : vector<16xi32>
      %not3A_222 = arith.constant dense<-1> : vector<16xi32>
      %not3A_223 = arith.xori %shift_right_arithmetic3A_221, %not3A_222 : vector<16xi32>
      %and3A_224 = arith.constant 2147483647 : i32
      %and3A_225 = vector.broadcast %and3A_224 : i32 to vector<16xi32>
      %and3A_226 = arith.andi %not3A_223, %and3A_225 : vector<16xi32>
      %xor3A_227 = arith.xori %bitcast_convert_type3A_218, %and3A_226 : vector<16xi32>
      %shift_right_logical3A_228 = arith.constant 21 : i32
      %shift_right_logical3A_229 = vector.broadcast %shift_right_logical3A_228 : i32 to vector<16xi32>
      %shift_right_logical3A_230 = arith.shrui %xor3A_227, %shift_right_logical3A_229 : vector<16xi32>
      tpu.vector_store_idx %arg6[%shift_right_logical3A_230], %broadcast_in_dim3A_3 {add = true} : memref<2048xi32, #tpu.memory_space<vmem>>[vector<16xi32>], vector<16xi32>,
      %scan3A_231 = arith.constant 3 : i32
      %scan3A_232 = arith.addi %scan3A_181, %scan3A_231 : i32
      %mul3A_233 = arith.constant 16 : i32
      %mul3A_234 = arith.muli %scan3A_232, %mul3A_233 : i32
      %get3A_235 = arith.index_cast %mul3A_234 : i32 to index
      %get3A_236 = tpu.vector_load %arg4[%get3A_235] {strides = array<i32>} : memref<8192xf32, #tpu.memory_space<vmem>>, vector<16xf32>,
      %bitcast_convert_type3A_237 = tpu.bitcast %get3A_236 : vector<16xf32> -> vector<16xi32>
      %shift_right_arithmetic3A_238 = arith.constant 31 : i32
      %shift_right_arithmetic3A_239 = vector.broadcast %shift_right_arithmetic3A_238 : i32 to vector<16xi32>
      %shift_right_arithmetic3A_240 = arith.shrsi %bitcast_convert_type3A_237, %shift_right_arithmetic3A_239 : vector<16xi32>
      %not3A_241 = arith.constant dense<-1> : vector<16xi32>
      %not3A_242 = arith.xori %shift_right_arithmetic3A_240, %not3A_241 : vector<16xi32>
      %and3A_243 = arith.constant 2147483647 : i32
      %and3A_244 = vector.broadcast %and3A_243 : i32 to vector<16xi32>
      %and3A_245 = arith.andi %not3A_242, %and3A_244 : vector<16xi32>
      %xor3A_246 = arith.xori %bitcast_convert_type3A_237, %and3A_245 : vector<16xi32>
      %shift_right_logical3A_247 = arith.constant 21 : i32
      %shift_right_logical3A_248 = vector.broadcast %shift_right_logical3A_247 : i32 to vector<16xi32>
      %shift_right_logical3A_249 = arith.shrui %xor3A_246, %shift_right_logical3A_248 : vector<16xi32>
      tpu.vector_store_idx %arg6[%shift_right_logical3A_249], %broadcast_in_dim3A_3 {add = true} : memref<2048xi32, #tpu.memory_space<vmem>>[vector<16xi32>], vector<16xi32>,
      %scan3A_250 = arith.constant 4 : i32
      %scan3A_251 = arith.addi %scan3A_181, %scan3A_250 : i32
      %mul3A_252 = arith.constant 16 : i32
      %mul3A_253 = arith.muli %scan3A_251, %mul3A_252 : i32
      %get3A_254 = arith.index_cast %mul3A_253 : i32 to index
      %get3A_255 = tpu.vector_load %arg4[%get3A_254] {strides = array<i32>} : memref<8192xf32, #tpu.memory_space<vmem>>, vector<16xf32>,
      %bitcast_convert_type3A_256 = tpu.bitcast %get3A_255 : vector<16xf32> -> vector<16xi32>
      %shift_right_arithmetic3A_257 = arith.constant 31 : i32
      %shift_right_arithmetic3A_258 = vector.broadcast %shift_right_arithmetic3A_257 : i32 to vector<16xi32>
      %shift_right_arithmetic3A_259 = arith.shrsi %bitcast_convert_type3A_256, %shift_right_arithmetic3A_258 : vector<16xi32>
      %not3A_260 = arith.constant dense<-1> : vector<16xi32>
      %not3A_261 = arith.xori %shift_right_arithmetic3A_259, %not3A_260 : vector<16xi32>
      %and3A_262 = arith.constant 2147483647 : i32
      %and3A_263 = vector.broadcast %and3A_262 : i32 to vector<16xi32>
      %and3A_264 = arith.andi %not3A_261, %and3A_263 : vector<16xi32>
      %xor3A_265 = arith.xori %bitcast_convert_type3A_256, %and3A_264 : vector<16xi32>
      %shift_right_logical3A_266 = arith.constant 21 : i32
      %shift_right_logical3A_267 = vector.broadcast %shift_right_logical3A_266 : i32 to vector<16xi32>
      %shift_right_logical3A_268 = arith.shrui %xor3A_265, %shift_right_logical3A_267 : vector<16xi32>
      tpu.vector_store_idx %arg6[%shift_right_logical3A_268], %broadcast_in_dim3A_3 {add = true} : memref<2048xi32, #tpu.memory_space<vmem>>[vector<16xi32>], vector<16xi32>,
      %scan3A_269 = arith.constant 5 : i32
      %scan3A_270 = arith.addi %scan3A_181, %scan3A_269 : i32
      %mul3A_271 = arith.constant 16 : i32
      %mul3A_272 = arith.muli %scan3A_270, %mul3A_271 : i32
      %get3A_273 = arith.index_cast %mul3A_272 : i32 to index
      %get3A_274 = tpu.vector_load %arg4[%get3A_273] {strides = array<i32>} : memref<8192xf32, #tpu.memory_space<vmem>>, vector<16xf32>,
      %bitcast_convert_type3A_275 = tpu.bitcast %get3A_274 : vector<16xf32> -> vector<16xi32>
      %shift_right_arithmetic3A_276 = arith.constant 31 : i32
      %shift_right_arithmetic3A_277 = vector.broadcast %shift_right_arithmetic3A_276 : i32 to vector<16xi32>
      %shift_right_arithmetic3A_278 = arith.shrsi %bitcast_convert_type3A_275, %shift_right_arithmetic3A_277 : vector<16xi32>
      %not3A_279 = arith.constant dense<-1> : vector<16xi32>
      %not3A_280 = arith.xori %shift_right_arithmetic3A_278, %not3A_279 : vector<16xi32>
      %and3A_281 = arith.constant 2147483647 : i32
      %and3A_282 = vector.broadcast %and3A_281 : i32 to vector<16xi32>
      %and3A_283 = arith.andi %not3A_280, %and3A_282 : vector<16xi32>
      %xor3A_284 = arith.xori %bitcast_convert_type3A_275, %and3A_283 : vector<16xi32>
      %shift_right_logical3A_285 = arith.constant 21 : i32
      %shift_right_logical3A_286 = vector.broadcast %shift_right_logical3A_285 : i32 to vector<16xi32>
      %shift_right_logical3A_287 = arith.shrui %xor3A_284, %shift_right_logical3A_286 : vector<16xi32>
      tpu.vector_store_idx %arg6[%shift_right_logical3A_287], %broadcast_in_dim3A_3 {add = true} : memref<2048xi32, #tpu.memory_space<vmem>>[vector<16xi32>], vector<16xi32>,
      %scan3A_288 = arith.constant 6 : i32
      %scan3A_289 = arith.addi %scan3A_181, %scan3A_288 : i32
      %mul3A_290 = arith.constant 16 : i32
      %mul3A_291 = arith.muli %scan3A_289, %mul3A_290 : i32
      %get3A_292 = arith.index_cast %mul3A_291 : i32 to index
      %get3A_293 = tpu.vector_load %arg4[%get3A_292] {strides = array<i32>} : memref<8192xf32, #tpu.memory_space<vmem>>, vector<16xf32>,
      %bitcast_convert_type3A_294 = tpu.bitcast %get3A_293 : vector<16xf32> -> vector<16xi32>
      %shift_right_arithmetic3A_295 = arith.constant 31 : i32
      %shift_right_arithmetic3A_296 = vector.broadcast %shift_right_arithmetic3A_295 : i32 to vector<16xi32>
      %shift_right_arithmetic3A_297 = arith.shrsi %bitcast_convert_type3A_294, %shift_right_arithmetic3A_296 : vector<16xi32>
      %not3A_298 = arith.constant dense<-1> : vector<16xi32>
      %not3A_299 = arith.xori %shift_right_arithmetic3A_297, %not3A_298 : vector<16xi32>
      %and3A_300 = arith.constant 2147483647 : i32
      %and3A_301 = vector.broadcast %and3A_300 : i32 to vector<16xi32>
      %and3A_302 = arith.andi %not3A_299, %and3A_301 : vector<16xi32>
      %xor3A_303 = arith.xori %bitcast_convert_type3A_294, %and3A_302 : vector<16xi32>
      %shift_right_logical3A_304 = arith.constant 21 : i32
      %shift_right_logical3A_305 = vector.broadcast %shift_right_logical3A_304 : i32 to vector<16xi32>
      %shift_right_logical3A_306 = arith.shrui %xor3A_303, %shift_right_logical3A_305 : vector<16xi32>
      tpu.vector_store_idx %arg6[%shift_right_logical3A_306], %broadcast_in_dim3A_3 {add = true} : memref<2048xi32, #tpu.memory_space<vmem>>[vector<16xi32>], vector<16xi32>,
      %scan3A_307 = arith.constant 7 : i32
      %scan3A_308 = arith.addi %scan3A_181, %scan3A_307 : i32
      %mul3A_309 = arith.constant 16 : i32
      %mul3A_310 = arith.muli %scan3A_308, %mul3A_309 : i32
      %get3A_311 = arith.index_cast %mul3A_310 : i32 to index
      %get3A_312 = tpu.vector_load %arg4[%get3A_311] {strides = array<i32>} : memref<8192xf32, #tpu.memory_space<vmem>>, vector<16xf32>,
      %bitcast_convert_type3A_313 = tpu.bitcast %get3A_312 : vector<16xf32> -> vector<16xi32>
      %shift_right_arithmetic3A_314 = arith.constant 31 : i32
      %shift_right_arithmetic3A_315 = vector.broadcast %shift_right_arithmetic3A_314 : i32 to vector<16xi32>
      %shift_right_arithmetic3A_316 = arith.shrsi %bitcast_convert_type3A_313, %shift_right_arithmetic3A_315 : vector<16xi32>
      %not3A_317 = arith.constant dense<-1> : vector<16xi32>
      %not3A_318 = arith.xori %shift_right_arithmetic3A_316, %not3A_317 : vector<16xi32>
      %and3A_319 = arith.constant 2147483647 : i32
      %and3A_320 = vector.broadcast %and3A_319 : i32 to vector<16xi32>
      %and3A_321 = arith.andi %not3A_318, %and3A_320 : vector<16xi32>
      %xor3A_322 = arith.xori %bitcast_convert_type3A_313, %and3A_321 : vector<16xi32>
      %shift_right_logical3A_323 = arith.constant 21 : i32
      %shift_right_logical3A_324 = vector.broadcast %shift_right_logical3A_323 : i32 to vector<16xi32>
      %shift_right_logical3A_325 = arith.shrui %xor3A_322, %shift_right_logical3A_324 : vector<16xi32>
      tpu.vector_store_idx %arg6[%shift_right_logical3A_325], %broadcast_in_dim3A_3 {add = true} : memref<2048xi32, #tpu.memory_space<vmem>>[vector<16xi32>], vector<16xi32>,
    }
    %scan3A_20 = arith.constant 512 : i32
    %while3A = arith.constant 0 : i32
    %while3A_21 = arith.constant 0 : i32
    %while3A_22 = arith.constant false
    %while3A_23 = arith.constant 0 : i32
    %while3A_24 = arith.constant 0 : i32
    %while3A_25:5 = scf.while (%while3A_181 = %while3A, %while3A_182 = %while3A_21, %while3A_183 = %while3A_22, %while3A_184 = %while3A_23, %while3A_185 = %while3A_24) : (i32, i32, i1, i32, i32) -> (i32, i32, i1, i32, i32) {
      %lt3A = arith.constant 128 : i32
      %lt3A_186 = arith.cmpi slt, %while3A_181, %lt3A : i32
      %not3A = arith.constant true
      %not3A_187 = arith.xori %while3A_183, %not3A : i1
      %and3A_188 = arith.andi %lt3A_186, %not3A_187 : i1
      scf.condition(%and3A_188) %while3A_181, %while3A_182, %while3A_183, %while3A_184, %while3A_185 : i32, i32, i1, i32, i32
    } do {
    ^bb0(%while3A_181: i32, %while3A_182: i32, %while3A_183: i1, %while3A_184: i32, %while3A_185: i32):
      %mul3A_186 = arith.constant 16 : i32
      %mul3A_187 = arith.muli %while3A_181, %mul3A_186 : i32
      %get3A = arith.index_cast %mul3A_187 : i32 to index
      %get3A_188 = tpu.vector_load %arg6[%get3A] {strides = array<i32>} : memref<2048xi32, #tpu.memory_space<vmem>>, vector<16xi32>,
      %broadcast_in_dim3A_189 = arith.constant true
      %broadcast_in_dim3A_190 = vector.broadcast %broadcast_in_dim3A_189 : i1 to vector<16xi1>
      %masked_cumsum3A = tpu.scan <sum>, %get3A_188 masked %broadcast_in_dim3A_190 : vector<16xi32>, vector<16xi1> -> vector<16xi32>
      %add3A_191 = vector.broadcast %while3A_182 : i32 to vector<16xi32>
      %add3A_192 = arith.addi %masked_cumsum3A, %add3A_191 : vector<16xi32>
      %ge3A = arith.constant 256 : i32
      %ge3A_193 = vector.broadcast %ge3A : i32 to vector<16xi32>
      %ge3A_194 = arith.cmpi sge, %add3A_192, %ge3A_193 : vector<16xi32>
      %reduce_or3A = arith.constant 1.000000e+00 : f32
      %reduce_or3A_195 = arith.constant 0.000000e+00 : f32
      %reduce_or3A_196 = vector.broadcast %reduce_or3A : f32 to vector<16xf32>
      %reduce_or3A_197 = vector.broadcast %reduce_or3A_195 : f32 to vector<16xf32>
      %reduce_or3A_198 = arith.select %ge3A_194, %reduce_or3A_196, %reduce_or3A_197 : vector<16xi1>, vector<16xf32>
      %reduce_or3A_199 = arith.constant true
      %reduce_or3A_200 = vector.broadcast %reduce_or3A_199 : i1 to vector<16xi1>
      %reduce_or3A_201 = tpu.scan <max>, %reduce_or3A_198 masked %reduce_or3A_200 : vector<16xf32>, vector<16xi1> -> vector<16xf32>
      %reduce_or3A_202 = vector.extract %reduce_or3A_201[15] : f32 from vector<16xf32>
      %reduce_or3A_203 = arith.constant 0.000000e+00 : f32
      %reduce_or3A_204 = arith.cmpf ogt, %reduce_or3A_202, %reduce_or3A_203 : f32
      %all_reduce_ffs3A = tpu.all_reduce %ge3A_194 {dim = 0 : i64, kind = #tpu.reduction_kind<find_first_set>} : vector<16xi1> -> vector<16xi32>
      %sub3A_205 = arith.subi %add3A_192, %get3A_188 : vector<16xi32>
      %eq3A = arith.cmpi eq, %iota3A, %all_reduce_ffs3A : vector<16xi32>
      %jit3A_206 = arith.constant 0 : i32
      %broadcast_in_dim3A_207 = vector.broadcast %jit3A_206 : i32 to vector<16xi32>
      %select_n3A_208 = arith.select %eq3A, %sub3A_205, %broadcast_in_dim3A_207 : vector<16xi1>, vector<16xi32>
      %reduce_max3A = arith.constant true
      %reduce_max3A_209 = vector.broadcast %reduce_max3A : i1 to vector<16xi1>
      %reduce_max3A_210 = arith.constant -2147483648 : i32
      %reduce_max3A_211 = vector.broadcast %reduce_max3A_210 : i32 to vector<16xi32>
      %reduce_max3A_212 = arith.xori %select_n3A_208, %reduce_max3A_211 : vector<16xi32>
      %reduce_max3A_213 = tpu.scan <max>, %reduce_max3A_212 masked %reduce_max3A_209 : vector<16xi32>, vector<16xi1> -> vector<16xi32>
      %reduce_max3A_214 = arith.xori %reduce_max3A_213, %reduce_max3A_211 : vector<16xi32>
      %reduce_max3A_215 = vector.extract %reduce_max3A_214[15] : i32 from vector<16xi32>
      %mul3A_216 = arith.constant 16 : i32
      %mul3A_217 = arith.muli %while3A_181, %mul3A_216 : i32
      %slice3A = vector.extract_strided_slice %all_reduce_ffs3A {offsets = [0], sizes = [1], strides = [1]} : vector<16xi32> to vector<1xi32>
      %squeeze3A = vector.extract %slice3A[0] : i32 from vector<1xi32>
      %add3A_218 = arith.addi %mul3A_217, %squeeze3A : i32
      %sub3A_219 = arith.constant 256 : i32
      %sub3A_220 = arith.subi %sub3A_219, %reduce_max3A_215 : i32
      %slice3A_221 = vector.extract_strided_slice %masked_cumsum3A {offsets = [15], sizes = [1], strides = [1]} : vector<16xi32> to vector<1xi32>
      %squeeze3A_222 = vector.extract %slice3A_221[0] : i32 from vector<1xi32>
      %add3A_223 = arith.constant 1 : i32
      %add3A_224 = arith.addi %while3A_181, %add3A_223 : i32
      %add3A_225 = arith.addi %while3A_182, %squeeze3A_222 : i32
      %select_n3A_226 = arith.select %reduce_or3A_204, %add3A_218, %while3A_184 : i32
      %select_n3A_227 = arith.select %reduce_or3A_204, %sub3A_220, %while3A_185 : i32
      scf.yield %add3A_224, %add3A_225, %reduce_or3A_204, %select_n3A_226, %select_n3A_227 : i32, i32, i1, i32, i32
    }
    %scan3A_26 = arith.constant 0 : i32
    %scan3A_27 = arith.constant 0 : i32
    %scan3A_28 = arith.constant 512 : i32
    %scan3A_29 = arith.addi %scan3A_27, %scan3A_28 : i32
    %scan3A_30 = arith.constant 4 : i32
    %scan3A_31 = scf.for %scan3A_181 = %scan3A_27 to %scan3A_29 step %scan3A_30 iter_args(%scan3A_182 = %scan3A_26) -> (i32)  : i32 {
      %mul3A_183 = arith.constant 16 : i32
      %mul3A_184 = arith.muli %scan3A_181, %mul3A_183 : i32
      %get3A = arith.index_cast %mul3A_184 : i32 to index
      %get3A_185 = tpu.vector_load %arg4[%get3A] {strides = array<i32>} : memref<8192xf32, #tpu.memory_space<vmem>>, vector<16xf32>,
      %bitcast_convert_type3A = tpu.bitcast %get3A_185 : vector<16xf32> -> vector<16xi32>
      %shift_right_arithmetic3A = arith.constant 31 : i32
      %shift_right_arithmetic3A_186 = vector.broadcast %shift_right_arithmetic3A : i32 to vector<16xi32>
      %shift_right_arithmetic3A_187 = arith.shrsi %bitcast_convert_type3A, %shift_right_arithmetic3A_186 : vector<16xi32>
      %not3A = arith.constant dense<-1> : vector<16xi32>
      %not3A_188 = arith.xori %shift_right_arithmetic3A_187, %not3A : vector<16xi32>
      %and3A_189 = arith.constant 2147483647 : i32
      %and3A_190 = vector.broadcast %and3A_189 : i32 to vector<16xi32>
      %and3A_191 = arith.andi %not3A_188, %and3A_190 : vector<16xi32>
      %xor3A = arith.xori %bitcast_convert_type3A, %and3A_191 : vector<16xi32>
      %shift_right_logical3A = arith.constant 21 : i32
      %shift_right_logical3A_192 = vector.broadcast %shift_right_logical3A : i32 to vector<16xi32>
      %shift_right_logical3A_193 = arith.shrui %xor3A, %shift_right_logical3A_192 : vector<16xi32>
      %lt3A = vector.broadcast %while3A_25#3 : i32 to vector<16xi32>
      %lt3A_194 = arith.cmpi slt, %shift_right_logical3A_193, %lt3A : vector<16xi32>
      %jit3A_195 = arith.constant 1.000000e+00 : f32
      %jit3A_196 = arith.constant 0.000000e+00 : f32
      %broadcast_in_dim3A_197 = vector.broadcast %jit3A_195 : f32 to vector<16xf32>
      %broadcast_in_dim3A_198 = vector.broadcast %jit3A_196 : f32 to vector<16xf32>
      %select_n3A_199 = arith.select %lt3A_194, %broadcast_in_dim3A_197, %broadcast_in_dim3A_198 : vector<16xi1>, vector<16xf32>
      %mul3A_200 = arith.constant 16 : i32
      %mul3A_201 = arith.muli %scan3A_181, %mul3A_200 : i32
      %swap3A_202 = arith.index_cast %mul3A_201 : i32 to index
      %swap3A_203 = tpu.vector_load %arg5[%swap3A_202] {strides = array<i32>} : memref<8192xf32, #tpu.memory_space<vmem>>, vector<16xf32>,
      tpu.vector_store %arg5[%swap3A_202], %select_n3A_199 {strides = array<i32>} : memref<8192xf32, #tpu.memory_space<vmem>>, vector<16xf32>,
      %eq3A = vector.broadcast %while3A_25#3 : i32 to vector<16xi32>
      %eq3A_204 = arith.cmpi eq, %shift_right_logical3A_193, %eq3A : vector<16xi32>
      %and3A_205 = arith.constant 2097151 : i32
      %and3A_206 = vector.broadcast %and3A_205 : i32 to vector<16xi32>
      %and3A_207 = arith.andi %xor3A, %and3A_206 : vector<16xi32>
      %mul3A_208 = arith.constant 16 : i32
      %mul3A_209 = arith.muli %scan3A_181, %mul3A_208 : i32
      %add3A_210 = vector.broadcast %mul3A_209 : i32 to vector<16xi32>
      %add3A_211 = arith.addi %iota3A, %add3A_210 : vector<16xi32>
      %swap3A_212 = arith.index_cast %scan3A_182 : i32 to index
      %swap3A_213 = tpu.vector_load %arg7[%swap3A_212] masked %eq3A_204 {strides = array<i32>} : memref<8208xi32, #tpu.memory_space<vmem>>, vector<16xi32>, vector<16xi1>
      tpu.vector_store %arg7[%swap3A_212], %and3A_207 masked %eq3A_204 {strides = array<i32>} : memref<8208xi32, #tpu.memory_space<vmem>>, vector<16xi32>, vector<16xi1>
      %swap3A_214 = arith.index_cast %scan3A_182 : i32 to index
      %swap3A_215 = tpu.vector_load %arg8[%swap3A_214] masked %eq3A_204 {strides = array<i32>} : memref<8208xi32, #tpu.memory_space<vmem>>, vector<16xi32>, vector<16xi1>
      tpu.vector_store %arg8[%swap3A_214], %add3A_211 masked %eq3A_204 {strides = array<i32>} : memref<8208xi32, #tpu.memory_space<vmem>>, vector<16xi32>, vector<16xi1>
      %all_reduce_population_count3A = tpu.all_reduce %eq3A_204 {dim = 0 : i64, kind = #tpu.reduction_kind<sum>} : vector<16xi1> -> vector<16xi32>
      %slice3A = vector.extract_strided_slice %all_reduce_population_count3A {offsets = [0], sizes = [1], strides = [1]} : vector<16xi32> to vector<1xi32>
      %squeeze3A = vector.extract %slice3A[0] : i32 from vector<1xi32>
      %add3A_216 = arith.addi %scan3A_182, %squeeze3A : i32
      %scan3A_217 = arith.constant 1 : i32
      %scan3A_218 = arith.addi %scan3A_181, %scan3A_217 : i32
      %mul3A_219 = arith.constant 16 : i32
      %mul3A_220 = arith.muli %scan3A_218, %mul3A_219 : i32
      %get3A_221 = arith.index_cast %mul3A_220 : i32 to index
      %get3A_222 = tpu.vector_load %arg4[%get3A_221] {strides = array<i32>} : memref<8192xf32, #tpu.memory_space<vmem>>, vector<16xf32>,
      %bitcast_convert_type3A_223 = tpu.bitcast %get3A_222 : vector<16xf32> -> vector<16xi32>
      %shift_right_arithmetic3A_224 = arith.constant 31 : i32
      %shift_right_arithmetic3A_225 = vector.broadcast %shift_right_arithmetic3A_224 : i32 to vector<16xi32>
      %shift_right_arithmetic3A_226 = arith.shrsi %bitcast_convert_type3A_223, %shift_right_arithmetic3A_225 : vector<16xi32>
      %not3A_227 = arith.constant dense<-1> : vector<16xi32>
      %not3A_228 = arith.xori %shift_right_arithmetic3A_226, %not3A_227 : vector<16xi32>
      %and3A_229 = arith.constant 2147483647 : i32
      %and3A_230 = vector.broadcast %and3A_229 : i32 to vector<16xi32>
      %and3A_231 = arith.andi %not3A_228, %and3A_230 : vector<16xi32>
      %xor3A_232 = arith.xori %bitcast_convert_type3A_223, %and3A_231 : vector<16xi32>
      %shift_right_logical3A_233 = arith.constant 21 : i32
      %shift_right_logical3A_234 = vector.broadcast %shift_right_logical3A_233 : i32 to vector<16xi32>
      %shift_right_logical3A_235 = arith.shrui %xor3A_232, %shift_right_logical3A_234 : vector<16xi32>
      %lt3A_236 = vector.broadcast %while3A_25#3 : i32 to vector<16xi32>
      %lt3A_237 = arith.cmpi slt, %shift_right_logical3A_235, %lt3A_236 : vector<16xi32>
      %jit3A_238 = arith.constant 1.000000e+00 : f32
      %jit3A_239 = arith.constant 0.000000e+00 : f32
      %broadcast_in_dim3A_240 = vector.broadcast %jit3A_238 : f32 to vector<16xf32>
      %broadcast_in_dim3A_241 = vector.broadcast %jit3A_239 : f32 to vector<16xf32>
      %select_n3A_242 = arith.select %lt3A_237, %broadcast_in_dim3A_240, %broadcast_in_dim3A_241 : vector<16xi1>, vector<16xf32>
      %mul3A_243 = arith.constant 16 : i32
      %mul3A_244 = arith.muli %scan3A_218, %mul3A_243 : i32
      %swap3A_245 = arith.index_cast %mul3A_244 : i32 to index
      %swap3A_246 = tpu.vector_load %arg5[%swap3A_245] {strides = array<i32>} : memref<8192xf32, #tpu.memory_space<vmem>>, vector<16xf32>,
      tpu.vector_store %arg5[%swap3A_245], %select_n3A_242 {strides = array<i32>} : memref<8192xf32, #tpu.memory_space<vmem>>, vector<16xf32>,
      %eq3A_247 = vector.broadcast %while3A_25#3 : i32 to vector<16xi32>
      %eq3A_248 = arith.cmpi eq, %shift_right_logical3A_235, %eq3A_247 : vector<16xi32>
      %and3A_249 = arith.constant 2097151 : i32
      %and3A_250 = vector.broadcast %and3A_249 : i32 to vector<16xi32>
      %and3A_251 = arith.andi %xor3A_232, %and3A_250 : vector<16xi32>
      %mul3A_252 = arith.constant 16 : i32
      %mul3A_253 = arith.muli %scan3A_218, %mul3A_252 : i32
      %add3A_254 = vector.broadcast %mul3A_253 : i32 to vector<16xi32>
      %add3A_255 = arith.addi %iota3A, %add3A_254 : vector<16xi32>
      %swap3A_256 = arith.index_cast %add3A_216 : i32 to index
      %swap3A_257 = tpu.vector_load %arg7[%swap3A_256] masked %eq3A_248 {strides = array<i32>} : memref<8208xi32, #tpu.memory_space<vmem>>, vector<16xi32>, vector<16xi1>
      tpu.vector_store %arg7[%swap3A_256], %and3A_251 masked %eq3A_248 {strides = array<i32>} : memref<8208xi32, #tpu.memory_space<vmem>>, vector<16xi32>, vector<16xi1>
      %swap3A_258 = arith.index_cast %add3A_216 : i32 to index
      %swap3A_259 = tpu.vector_load %arg8[%swap3A_258] masked %eq3A_248 {strides = array<i32>} : memref<8208xi32, #tpu.memory_space<vmem>>, vector<16xi32>, vector<16xi1>
      tpu.vector_store %arg8[%swap3A_258], %add3A_255 masked %eq3A_248 {strides = array<i32>} : memref<8208xi32, #tpu.memory_space<vmem>>, vector<16xi32>, vector<16xi1>
      %all_reduce_population_count3A_260 = tpu.all_reduce %eq3A_248 {dim = 0 : i64, kind = #tpu.reduction_kind<sum>} : vector<16xi1> -> vector<16xi32>
      %slice3A_261 = vector.extract_strided_slice %all_reduce_population_count3A_260 {offsets = [0], sizes = [1], strides = [1]} : vector<16xi32> to vector<1xi32>
      %squeeze3A_262 = vector.extract %slice3A_261[0] : i32 from vector<1xi32>
      %add3A_263 = arith.addi %add3A_216, %squeeze3A_262 : i32
      %scan3A_264 = arith.constant 2 : i32
      %scan3A_265 = arith.addi %scan3A_181, %scan3A_264 : i32
      %mul3A_266 = arith.constant 16 : i32
      %mul3A_267 = arith.muli %scan3A_265, %mul3A_266 : i32
      %get3A_268 = arith.index_cast %mul3A_267 : i32 to index
      %get3A_269 = tpu.vector_load %arg4[%get3A_268] {strides = array<i32>} : memref<8192xf32, #tpu.memory_space<vmem>>, vector<16xf32>,
      %bitcast_convert_type3A_270 = tpu.bitcast %get3A_269 : vector<16xf32> -> vector<16xi32>
      %shift_right_arithmetic3A_271 = arith.constant 31 : i32
      %shift_right_arithmetic3A_272 = vector.broadcast %shift_right_arithmetic3A_271 : i32 to vector<16xi32>
      %shift_right_arithmetic3A_273 = arith.shrsi %bitcast_convert_type3A_270, %shift_right_arithmetic3A_272 : vector<16xi32>
      %not3A_274 = arith.constant dense<-1> : vector<16xi32>
      %not3A_275 = arith.xori %shift_right_arithmetic3A_273, %not3A_274 : vector<16xi32>
      %and3A_276 = arith.constant 2147483647 : i32
      %and3A_277 = vector.broadcast %and3A_276 : i32 to vector<16xi32>
      %and3A_278 = arith.andi %not3A_275, %and3A_277 : vector<16xi32>
      %xor3A_279 = arith.xori %bitcast_convert_type3A_270, %and3A_278 : vector<16xi32>
      %shift_right_logical3A_280 = arith.constant 21 : i32
      %shift_right_logical3A_281 = vector.broadcast %shift_right_logical3A_280 : i32 to vector<16xi32>
      %shift_right_logical3A_282 = arith.shrui %xor3A_279, %shift_right_logical3A_281 : vector<16xi32>
      %lt3A_283 = vector.broadcast %while3A_25#3 : i32 to vector<16xi32>
      %lt3A_284 = arith.cmpi slt, %shift_right_logical3A_282, %lt3A_283 : vector<16xi32>
      %jit3A_285 = arith.constant 1.000000e+00 : f32
      %jit3A_286 = arith.constant 0.000000e+00 : f32
      %broadcast_in_dim3A_287 = vector.broadcast %jit3A_285 : f32 to vector<16xf32>
      %broadcast_in_dim3A_288 = vector.broadcast %jit3A_286 : f32 to vector<16xf32>
      %select_n3A_289 = arith.select %lt3A_284, %broadcast_in_dim3A_287, %broadcast_in_dim3A_288 : vector<16xi1>, vector<16xf32>
      %mul3A_290 = arith.constant 16 : i32
      %mul3A_291 = arith.muli %scan3A_265, %mul3A_290 : i32
      %swap3A_292 = arith.index_cast %mul3A_291 : i32 to index
      %swap3A_293 = tpu.vector_load %arg5[%swap3A_292] {strides = array<i32>} : memref<8192xf32, #tpu.memory_space<vmem>>, vector<16xf32>,
      tpu.vector_store %arg5[%swap3A_292], %select_n3A_289 {strides = array<i32>} : memref<8192xf32, #tpu.memory_space<vmem>>, vector<16xf32>,
      %eq3A_294 = vector.broadcast %while3A_25#3 : i32 to vector<16xi32>
      %eq3A_295 = arith.cmpi eq, %shift_right_logical3A_282, %eq3A_294 : vector<16xi32>
      %and3A_296 = arith.constant 2097151 : i32
      %and3A_297 = vector.broadcast %and3A_296 : i32 to vector<16xi32>
      %and3A_298 = arith.andi %xor3A_279, %and3A_297 : vector<16xi32>
      %mul3A_299 = arith.constant 16 : i32
      %mul3A_300 = arith.muli %scan3A_265, %mul3A_299 : i32
      %add3A_301 = vector.broadcast %mul3A_300 : i32 to vector<16xi32>
      %add3A_302 = arith.addi %iota3A, %add3A_301 : vector<16xi32>
      %swap3A_303 = arith.index_cast %add3A_263 : i32 to index
      %swap3A_304 = tpu.vector_load %arg7[%swap3A_303] masked %eq3A_295 {strides = array<i32>} : memref<8208xi32, #tpu.memory_space<vmem>>, vector<16xi32>, vector<16xi1>
      tpu.vector_store %arg7[%swap3A_303], %and3A_298 masked %eq3A_295 {strides = array<i32>} : memref<8208xi32, #tpu.memory_space<vmem>>, vector<16xi32>, vector<16xi1>
      %swap3A_305 = arith.index_cast %add3A_263 : i32 to index
      %swap3A_306 = tpu.vector_load %arg8[%swap3A_305] masked %eq3A_295 {strides = array<i32>} : memref<8208xi32, #tpu.memory_space<vmem>>, vector<16xi32>, vector<16xi1>
      tpu.vector_store %arg8[%swap3A_305], %add3A_302 masked %eq3A_295 {strides = array<i32>} : memref<8208xi32, #tpu.memory_space<vmem>>, vector<16xi32>, vector<16xi1>
      %all_reduce_population_count3A_307 = tpu.all_reduce %eq3A_295 {dim = 0 : i64, kind = #tpu.reduction_kind<sum>} : vector<16xi1> -> vector<16xi32>
      %slice3A_308 = vector.extract_strided_slice %all_reduce_population_count3A_307 {offsets = [0], sizes = [1], strides = [1]} : vector<16xi32> to vector<1xi32>
      %squeeze3A_309 = vector.extract %slice3A_308[0] : i32 from vector<1xi32>
      %add3A_310 = arith.addi %add3A_263, %squeeze3A_309 : i32
      %scan3A_311 = arith.constant 3 : i32
      %scan3A_312 = arith.addi %scan3A_181, %scan3A_311 : i32
      %mul3A_313 = arith.constant 16 : i32
      %mul3A_314 = arith.muli %scan3A_312, %mul3A_313 : i32
      %get3A_315 = arith.index_cast %mul3A_314 : i32 to index
      %get3A_316 = tpu.vector_load %arg4[%get3A_315] {strides = array<i32>} : memref<8192xf32, #tpu.memory_space<vmem>>, vector<16xf32>,
      %bitcast_convert_type3A_317 = tpu.bitcast %get3A_316 : vector<16xf32> -> vector<16xi32>
      %shift_right_arithmetic3A_318 = arith.constant 31 : i32
      %shift_right_arithmetic3A_319 = vector.broadcast %shift_right_arithmetic3A_318 : i32 to vector<16xi32>
      %shift_right_arithmetic3A_320 = arith.shrsi %bitcast_convert_type3A_317, %shift_right_arithmetic3A_319 : vector<16xi32>
      %not3A_321 = arith.constant dense<-1> : vector<16xi32>
      %not3A_322 = arith.xori %shift_right_arithmetic3A_320, %not3A_321 : vector<16xi32>
      %and3A_323 = arith.constant 2147483647 : i32
      %and3A_324 = vector.broadcast %and3A_323 : i32 to vector<16xi32>
      %and3A_325 = arith.andi %not3A_322, %and3A_324 : vector<16xi32>
      %xor3A_326 = arith.xori %bitcast_convert_type3A_317, %and3A_325 : vector<16xi32>
      %shift_right_logical3A_327 = arith.constant 21 : i32
      %shift_right_logical3A_328 = vector.broadcast %shift_right_logical3A_327 : i32 to vector<16xi32>
      %shift_right_logical3A_329 = arith.shrui %xor3A_326, %shift_right_logical3A_328 : vector<16xi32>
      %lt3A_330 = vector.broadcast %while3A_25#3 : i32 to vector<16xi32>
      %lt3A_331 = arith.cmpi slt, %shift_right_logical3A_329, %lt3A_330 : vector<16xi32>
      %jit3A_332 = arith.constant 1.000000e+00 : f32
      %jit3A_333 = arith.constant 0.000000e+00 : f32
      %broadcast_in_dim3A_334 = vector.broadcast %jit3A_332 : f32 to vector<16xf32>
      %broadcast_in_dim3A_335 = vector.broadcast %jit3A_333 : f32 to vector<16xf32>
      %select_n3A_336 = arith.select %lt3A_331, %broadcast_in_dim3A_334, %broadcast_in_dim3A_335 : vector<16xi1>, vector<16xf32>
      %mul3A_337 = arith.constant 16 : i32
      %mul3A_338 = arith.muli %scan3A_312, %mul3A_337 : i32
      %swap3A_339 = arith.index_cast %mul3A_338 : i32 to index
      %swap3A_340 = tpu.vector_load %arg5[%swap3A_339] {strides = array<i32>} : memref<8192xf32, #tpu.memory_space<vmem>>, vector<16xf32>,
      tpu.vector_store %arg5[%swap3A_339], %select_n3A_336 {strides = array<i32>} : memref<8192xf32, #tpu.memory_space<vmem>>, vector<16xf32>,
      %eq3A_341 = vector.broadcast %while3A_25#3 : i32 to vector<16xi32>
      %eq3A_342 = arith.cmpi eq, %shift_right_logical3A_329, %eq3A_341 : vector<16xi32>
      %and3A_343 = arith.constant 2097151 : i32
      %and3A_344 = vector.broadcast %and3A_343 : i32 to vector<16xi32>
      %and3A_345 = arith.andi %xor3A_326, %and3A_344 : vector<16xi32>
      %mul3A_346 = arith.constant 16 : i32
      %mul3A_347 = arith.muli %scan3A_312, %mul3A_346 : i32
      %add3A_348 = vector.broadcast %mul3A_347 : i32 to vector<16xi32>
      %add3A_349 = arith.addi %iota3A, %add3A_348 : vector<16xi32>
      %swap3A_350 = arith.index_cast %add3A_310 : i32 to index
      %swap3A_351 = tpu.vector_load %arg7[%swap3A_350] masked %eq3A_342 {strides = array<i32>} : memref<8208xi32, #tpu.memory_space<vmem>>, vector<16xi32>, vector<16xi1>
      tpu.vector_store %arg7[%swap3A_350], %and3A_345 masked %eq3A_342 {strides = array<i32>} : memref<8208xi32, #tpu.memory_space<vmem>>, vector<16xi32>, vector<16xi1>
      %swap3A_352 = arith.index_cast %add3A_310 : i32 to index
      %swap3A_353 = tpu.vector_load %arg8[%swap3A_352] masked %eq3A_342 {strides = array<i32>} : memref<8208xi32, #tpu.memory_space<vmem>>, vector<16xi32>, vector<16xi1>
      tpu.vector_store %arg8[%swap3A_352], %add3A_349 masked %eq3A_342 {strides = array<i32>} : memref<8208xi32, #tpu.memory_space<vmem>>, vector<16xi32>, vector<16xi1>
      %all_reduce_population_count3A_354 = tpu.all_reduce %eq3A_342 {dim = 0 : i64, kind = #tpu.reduction_kind<sum>} : vector<16xi1> -> vector<16xi32>
      %slice3A_355 = vector.extract_strided_slice %all_reduce_population_count3A_354 {offsets = [0], sizes = [1], strides = [1]} : vector<16xi32> to vector<1xi32>
      %squeeze3A_356 = vector.extract %slice3A_355[0] : i32 from vector<1xi32>
      %add3A_357 = arith.addi %add3A_310, %squeeze3A_356 : i32
      scf.yield %add3A_357 : i32
    }
    %scan3A_32 = arith.constant 512 : i32
    %broadcast_in_dim3A_33 = arith.constant 2097151 : i32
    %broadcast_in_dim3A_34 = vector.broadcast %broadcast_in_dim3A_33 : i32 to vector<16xi32>
    %swap3A = arith.index_cast %scan3A_31 : i32 to index
    %swap3A_35 = tpu.vector_load %arg7[%swap3A] {strides = array<i32>} : memref<8208xi32, #tpu.memory_space<vmem>>, vector<16xi32>,
    tpu.vector_store %arg7[%swap3A], %broadcast_in_dim3A_34 {strides = array<i32>} : memref<8208xi32, #tpu.memory_space<vmem>>, vector<16xi32>,
    %add3A_36 = arith.constant 16 : i32
    %add3A_37 = arith.addi %scan3A_31, %add3A_36 : i32
    %sub3A = arith.constant 1 : i32
    %sub3A_38 = arith.subi %add3A_37, %sub3A : i32
    %jit3A = arith.constant 16 : i32
    %div3A = arith.divsi %sub3A_38, %jit3A : i32
    %sign3A = arith.constant 0 : i32
    %sign3A_39 = arith.cmpi sgt, %sub3A_38, %sign3A : i32
    %sign3A_40 = arith.extui %sign3A_39 : i1 to i32
    %sign3A_41 = arith.constant 0 : i32
    %sign3A_42 = arith.cmpi slt, %sub3A_38, %sign3A_41 : i32
    %sign3A_43 = arith.extui %sign3A_42 : i1 to i32
    %sign3A_44 = arith.subi %sign3A_40, %sign3A_43 : i32
    %sign3A_45 = arith.constant 0 : i32
    %sign3A_46 = arith.cmpi sgt, %jit3A, %sign3A_45 : i32
    %sign3A_47 = arith.extui %sign3A_46 : i1 to i32
    %sign3A_48 = arith.constant 0 : i32
    %sign3A_49 = arith.cmpi slt, %jit3A, %sign3A_48 : i32
    %sign3A_50 = arith.extui %sign3A_49 : i1 to i32
    %sign3A_51 = arith.subi %sign3A_47, %sign3A_50 : i32
    %ne3A = arith.cmpi ne, %sign3A_44, %sign3A_51 : i32
    %rem3A = arith.remsi %sub3A_38, %jit3A : i32
    %ne3A_52 = arith.constant 0 : i32
    %ne3A_53 = arith.cmpi ne, %rem3A, %ne3A_52 : i32
    %and3A = arith.andi %ne3A, %ne3A_53 : i1
    %sub3A_54 = arith.constant 1 : i32
    %sub3A_55 = arith.subi %div3A, %sub3A_54 : i32
    %select_n3A = arith.select %and3A, %sub3A_55, %div3A : i32
    %scan3A_56 = arith.constant 0 : i32
    %scan3A_57 = arith.constant 0 : i32
    %scan3A_58 = arith.constant 21 : i32
    %scan3A_59 = arith.addi %scan3A_57, %scan3A_58 : i32
    %scan3A_60 = arith.constant 1 : i32
    %scan3A_61 = scf.for %scan3A_181 = %scan3A_57 to %scan3A_59 step %scan3A_60 iter_args(%scan3A_182 = %scan3A_56) -> (i32)  : i32 {
      %sub3A_183 = arith.constant 20 : i32
      %sub3A_184 = arith.subi %sub3A_183, %scan3A_181 : i32
      %shift_left3A = arith.constant 1 : i32
      %shift_left3A_185 = arith.shli %shift_left3A, %sub3A_184 : i32
      %or3A = arith.ori %scan3A_182, %shift_left3A_185 : i32
      %while3A_186 = arith.constant 0 : i32
      %while3A_187 = arith.constant 0 : i32
      %while3A_188 = arith.subi %select_n3A, %while3A_186 : i32
      %while3A_189 = arith.addi %while3A_186, %while3A_188 : i32
      %while3A_190 = arith.constant 1 : i32
      %while3A_191 = arith.divsi %while3A_188, %while3A_190 : i32
      %while3A_192 = arith.muli %while3A_191, %while3A_190 : i32
      %while3A_193 = arith.addi %while3A_186, %while3A_192 : i32
      %while3A_194 = arith.constant 1 : i32
      %while3A_195 = scf.for %while3A_199 = %while3A_186 to %while3A_193 step %while3A_194 iter_args(%while3A_200 = %while3A_187) -> (i32)  : i32 {
        %mul3A_201 = arith.constant 16 : i32
        %mul3A_202 = arith.muli %while3A_199, %mul3A_201 : i32
        %get3A = arith.index_cast %mul3A_202 : i32 to index
        %get3A_203 = tpu.vector_load %arg7[%get3A] {strides = array<i32>} : memref<8208xi32, #tpu.memory_space<vmem>>, vector<16xi32>,
        %lt3A = vector.broadcast %or3A : i32 to vector<16xi32>
        %lt3A_204 = arith.cmpi slt, %get3A_203, %lt3A : vector<16xi32>
        %all_reduce_population_count3A = tpu.all_reduce %lt3A_204 {dim = 0 : i64, kind = #tpu.reduction_kind<sum>} : vector<16xi1> -> vector<16xi32>
        %slice3A = vector.extract_strided_slice %all_reduce_population_count3A {offsets = [0], sizes = [1], strides = [1]} : vector<16xi32> to vector<1xi32>
        %squeeze3A = vector.extract %slice3A[0] : i32 from vector<1xi32>
        %add3A_205 = arith.addi %while3A_200, %squeeze3A : i32
        scf.yield %add3A_205 : i32
      }
      %while3A_196 = arith.constant 1 : i32
      %while3A_197 = scf.for %while3A_199 = %while3A_193 to %while3A_189 step %while3A_196 iter_args(%while3A_200 = %while3A_195) -> (i32)  : i32 {
        %mul3A_201 = arith.constant 16 : i32
        %mul3A_202 = arith.muli %while3A_199, %mul3A_201 : i32
        %get3A = arith.index_cast %mul3A_202 : i32 to index
        %get3A_203 = tpu.vector_load %arg7[%get3A] {strides = array<i32>} : memref<8208xi32, #tpu.memory_space<vmem>>, vector<16xi32>,
        %lt3A = vector.broadcast %or3A : i32 to vector<16xi32>
        %lt3A_204 = arith.cmpi slt, %get3A_203, %lt3A : vector<16xi32>
        %all_reduce_population_count3A = tpu.all_reduce %lt3A_204 {dim = 0 : i64, kind = #tpu.reduction_kind<sum>} : vector<16xi1> -> vector<16xi32>
        %slice3A = vector.extract_strided_slice %all_reduce_population_count3A {offsets = [0], sizes = [1], strides = [1]} : vector<16xi32> to vector<1xi32>
        %squeeze3A = vector.extract %slice3A[0] : i32 from vector<1xi32>
        %add3A_205 = arith.addi %while3A_200, %squeeze3A : i32
        scf.yield %add3A_205 : i32
      }
      %ge3A = arith.cmpi sge, %while3A_197, %while3A_25#4 : i32
      %select_n3A_198 = arith.select %ge3A, %scan3A_182, %or3A : i32
      scf.yield %select_n3A_198 : i32
    }
    %scan3A_62 = arith.constant 21 : i32
    %while3A_63 = arith.constant 0 : i32
    %while3A_64 = arith.constant 0 : i32
    %while3A_65 = arith.subi %select_n3A, %while3A_63 : i32
    %while3A_66 = arith.addi %while3A_63, %while3A_65 : i32
    %while3A_67 = arith.constant 1 : i32
    %while3A_68 = arith.divsi %while3A_65, %while3A_67 : i32
    %while3A_69 = arith.muli %while3A_68, %while3A_67 : i32
    %while3A_70 = arith.addi %while3A_63, %while3A_69 : i32
    %while3A_71 = arith.constant 1 : i32
    %while3A_72 = scf.for %while3A_181 = %while3A_63 to %while3A_70 step %while3A_71 iter_args(%while3A_182 = %while3A_64) -> (i32)  : i32 {
      %mul3A_183 = arith.constant 16 : i32
      %mul3A_184 = arith.muli %while3A_181, %mul3A_183 : i32
      %get3A = arith.index_cast %mul3A_184 : i32 to index
      %get3A_185 = tpu.vector_load %arg7[%get3A] {strides = array<i32>} : memref<8208xi32, #tpu.memory_space<vmem>>, vector<16xi32>,
      %lt3A = vector.broadcast %scan3A_61 : i32 to vector<16xi32>
      %lt3A_186 = arith.cmpi slt, %get3A_185, %lt3A : vector<16xi32>
      %all_reduce_population_count3A = tpu.all_reduce %lt3A_186 {dim = 0 : i64, kind = #tpu.reduction_kind<sum>} : vector<16xi1> -> vector<16xi32>
      %slice3A = vector.extract_strided_slice %all_reduce_population_count3A {offsets = [0], sizes = [1], strides = [1]} : vector<16xi32> to vector<1xi32>
      %squeeze3A = vector.extract %slice3A[0] : i32 from vector<1xi32>
      %add3A_187 = arith.addi %while3A_182, %squeeze3A : i32
      scf.yield %add3A_187 : i32
    }
    %while3A_73 = arith.constant 1 : i32
    %while3A_74 = scf.for %while3A_181 = %while3A_70 to %while3A_66 step %while3A_73 iter_args(%while3A_182 = %while3A_72) -> (i32)  : i32 {
      %mul3A_183 = arith.constant 16 : i32
      %mul3A_184 = arith.muli %while3A_181, %mul3A_183 : i32
      %get3A = arith.index_cast %mul3A_184 : i32 to index
      %get3A_185 = tpu.vector_load %arg7[%get3A] {strides = array<i32>} : memref<8208xi32, #tpu.memory_space<vmem>>, vector<16xi32>,
      %lt3A = vector.broadcast %scan3A_61 : i32 to vector<16xi32>
      %lt3A_186 = arith.cmpi slt, %get3A_185, %lt3A : vector<16xi32>
      %all_reduce_population_count3A = tpu.all_reduce %lt3A_186 {dim = 0 : i64, kind = #tpu.reduction_kind<sum>} : vector<16xi1> -> vector<16xi32>
      %slice3A = vector.extract_strided_slice %all_reduce_population_count3A {offsets = [0], sizes = [1], strides = [1]} : vector<16xi32> to vector<1xi32>
      %squeeze3A = vector.extract %slice3A[0] : i32 from vector<1xi32>
      %add3A_187 = arith.addi %while3A_182, %squeeze3A : i32
      scf.yield %add3A_187 : i32
    }
    %sub3A_75 = arith.subi %while3A_25#4, %while3A_74 : i32
    %while3A_76 = arith.constant 0 : i32
    %while3A_77 = arith.constant 0 : i32
    %while3A_78 = arith.subi %select_n3A, %while3A_76 : i32
    %while3A_79 = arith.addi %while3A_76, %while3A_78 : i32
    %while3A_80 = arith.constant 1 : i32
    %while3A_81 = arith.divsi %while3A_78, %while3A_80 : i32
    %while3A_82 = arith.muli %while3A_81, %while3A_80 : i32
    %while3A_83 = arith.addi %while3A_76, %while3A_82 : i32
    %while3A_84 = arith.constant 1 : i32
    %while3A_85 = scf.for %while3A_181 = %while3A_76 to %while3A_83 step %while3A_84 iter_args(%while3A_182 = %while3A_77) -> (i32)  : i32 {
      %mul3A_183 = arith.constant 16 : i32
      %mul3A_184 = arith.muli %while3A_181, %mul3A_183 : i32
      %get3A = arith.index_cast %mul3A_184 : i32 to index
      %get3A_185 = tpu.vector_load %arg7[%get3A] {strides = array<i32>} : memref<8208xi32, #tpu.memory_space<vmem>>, vector<16xi32>,
      %mul3A_186 = arith.constant 16 : i32
      %mul3A_187 = arith.muli %while3A_181, %mul3A_186 : i32
      %get3A_188 = arith.index_cast %mul3A_187 : i32 to index
      %get3A_189 = tpu.vector_load %arg8[%get3A_188] {strides = array<i32>} : memref<8208xi32, #tpu.memory_space<vmem>>, vector<16xi32>,
      %mul3A_190 = arith.constant 16 : i32
      %mul3A_191 = arith.muli %while3A_181, %mul3A_190 : i32
      %add3A_192 = vector.broadcast %mul3A_191 : i32 to vector<16xi32>
      %add3A_193 = arith.addi %iota3A, %add3A_192 : vector<16xi32>
      %lt3A = vector.broadcast %scan3A_31 : i32 to vector<16xi32>
      %lt3A_194 = arith.cmpi slt, %add3A_193, %lt3A : vector<16xi32>
      %lt3A_195 = vector.broadcast %scan3A_61 : i32 to vector<16xi32>
      %lt3A_196 = arith.cmpi slt, %get3A_185, %lt3A_195 : vector<16xi32>
      %and3A_197 = arith.andi %lt3A_196, %lt3A_194 : vector<16xi1>
      %eq3A = vector.broadcast %scan3A_61 : i32 to vector<16xi32>
      %eq3A_198 = arith.cmpi eq, %get3A_185, %eq3A : vector<16xi32>
      %and3A_199 = arith.andi %eq3A_198, %lt3A_194 : vector<16xi1>
      %convert_element_type3A = arith.extui %and3A_199 : vector<16xi1> to vector<16xi32>
      %broadcast_in_dim3A_200 = arith.constant true
      %broadcast_in_dim3A_201 = vector.broadcast %broadcast_in_dim3A_200 : i1 to vector<16xi1>
      %masked_cumsum3A = tpu.scan <sum>, %convert_element_type3A masked %broadcast_in_dim3A_201 : vector<16xi32>, vector<16xi1> -> vector<16xi32>
      %add3A_202 = vector.broadcast %while3A_182 : i32 to vector<16xi32>
      %add3A_203 = arith.addi %masked_cumsum3A, %add3A_202 : vector<16xi32>
      %le3A = vector.broadcast %sub3A_75 : i32 to vector<16xi32>
      %le3A_204 = arith.cmpi sle, %add3A_203, %le3A : vector<16xi32>
      %and3A_205 = arith.andi %and3A_199, %le3A_204 : vector<16xi1>
      %or3A = arith.ori %and3A_197, %and3A_205 : vector<16xi1>
      tpu.vector_store_idx %arg5[%get3A_189], %broadcast_in_dim3A_5 masked %or3A : memref<8192xf32, #tpu.memory_space<vmem>>[vector<16xi32>], vector<16xf32>, vector<16xi1>
      %all_reduce_population_count3A = tpu.all_reduce %and3A_199 {dim = 0 : i64, kind = #tpu.reduction_kind<sum>} : vector<16xi1> -> vector<16xi32>
      %slice3A = vector.extract_strided_slice %all_reduce_population_count3A {offsets = [0], sizes = [1], strides = [1]} : vector<16xi32> to vector<1xi32>
      %squeeze3A = vector.extract %slice3A[0] : i32 from vector<1xi32>
      %add3A_206 = arith.addi %while3A_182, %squeeze3A : i32
      scf.yield %add3A_206 : i32
    }
    %while3A_86 = arith.constant 1 : i32
    %while3A_87 = scf.for %while3A_181 = %while3A_83 to %while3A_79 step %while3A_86 iter_args(%while3A_182 = %while3A_85) -> (i32)  : i32 {
      %mul3A_183 = arith.constant 16 : i32
      %mul3A_184 = arith.muli %while3A_181, %mul3A_183 : i32
      %get3A = arith.index_cast %mul3A_184 : i32 to index
      %get3A_185 = tpu.vector_load %arg7[%get3A] {strides = array<i32>} : memref<8208xi32, #tpu.memory_space<vmem>>, vector<16xi32>,
      %mul3A_186 = arith.constant 16 : i32
      %mul3A_187 = arith.muli %while3A_181, %mul3A_186 : i32
      %get3A_188 = arith.index_cast %mul3A_187 : i32 to index
      %get3A_189 = tpu.vector_load %arg8[%get3A_188] {strides = array<i32>} : memref<8208xi32, #tpu.memory_space<vmem>>, vector<16xi32>,
      %mul3A_190 = arith.constant 16 : i32
      %mul3A_191 = arith.muli %while3A_181, %mul3A_190 : i32
      %add3A_192 = vector.broadcast %mul3A_191 : i32 to vector<16xi32>
      %add3A_193 = arith.addi %iota3A, %add3A_192 : vector<16xi32>
      %lt3A = vector.broadcast %scan3A_31 : i32 to vector<16xi32>
      %lt3A_194 = arith.cmpi slt, %add3A_193, %lt3A : vector<16xi32>
      %lt3A_195 = vector.broadcast %scan3A_61 : i32 to vector<16xi32>
      %lt3A_196 = arith.cmpi slt, %get3A_185, %lt3A_195 : vector<16xi32>
      %and3A_197 = arith.andi %lt3A_196, %lt3A_194 : vector<16xi1>
      %eq3A = vector.broadcast %scan3A_61 : i32 to vector<16xi32>
      %eq3A_198 = arith.cmpi eq, %get3A_185, %eq3A : vector<16xi32>
      %and3A_199 = arith.andi %eq3A_198, %lt3A_194 : vector<16xi1>
      %convert_element_type3A = arith.extui %and3A_199 : vector<16xi1> to vector<16xi32>
      %broadcast_in_dim3A_200 = arith.constant true
      %broadcast_in_dim3A_201 = vector.broadcast %broadcast_in_dim3A_200 : i1 to vector<16xi1>
      %masked_cumsum3A = tpu.scan <sum>, %convert_element_type3A masked %broadcast_in_dim3A_201 : vector<16xi32>, vector<16xi1> -> vector<16xi32>
      %add3A_202 = vector.broadcast %while3A_182 : i32 to vector<16xi32>
      %add3A_203 = arith.addi %masked_cumsum3A, %add3A_202 : vector<16xi32>
      %le3A = vector.broadcast %sub3A_75 : i32 to vector<16xi32>
      %le3A_204 = arith.cmpi sle, %add3A_203, %le3A : vector<16xi32>
      %and3A_205 = arith.andi %and3A_199, %le3A_204 : vector<16xi1>
      %or3A = arith.ori %and3A_197, %and3A_205 : vector<16xi1>
      tpu.vector_store_idx %arg5[%get3A_189], %broadcast_in_dim3A_5 masked %or3A : memref<8192xf32, #tpu.memory_space<vmem>>[vector<16xi32>], vector<16xf32>, vector<16xi1>
      %all_reduce_population_count3A = tpu.all_reduce %and3A_199 {dim = 0 : i64, kind = #tpu.reduction_kind<sum>} : vector<16xi1> -> vector<16xi32>
      %slice3A = vector.extract_strided_slice %all_reduce_population_count3A {offsets = [0], sizes = [1], strides = [1]} : vector<16xi32> to vector<1xi32>
      %squeeze3A = vector.extract %slice3A[0] : i32 from vector<1xi32>
      %add3A_206 = arith.addi %while3A_182, %squeeze3A : i32
      scf.yield %add3A_206 : i32
    }
    "tpu.region"() ({
      %run_scoped3A = tpu.sem_alloc : memref<!tpu.dma_semaphore, #tpu.memory_space<semaphore_mem>>
      %dma_start3A = arith.constant 0 : i32
      %dma_start3A_181 = tpu.memref_slice %arg3[%add3A_9, %dma_start3A] : memref<64x8192xf32, #tpu.memory_space<hbm>> -> memref<1x8192xf32, #tpu.memory_space<hbm>>
      %dma_start3A_182 = tpu.memref_squeeze %dma_start3A_181 : memref<1x8192xf32, #tpu.memory_space<hbm>> -> memref<8192xf32, #tpu.memory_space<hbm>>
      %dma_start3A_183 = arith.constant 0 : i32
      %dma_start3A_184 = tpu.memref_slice %arg3[%add3A_9, %dma_start3A_183] : memref<64x8192xf32, #tpu.memory_space<hbm>> -> memref<1x8192xf32, #tpu.memory_space<hbm>>
      %dma_start3A_185 = tpu.memref_squeeze %dma_start3A_184 : memref<1x8192xf32, #tpu.memory_space<hbm>> -> memref<8192xf32, #tpu.memory_space<hbm>>
      tpu.enqueue_dma source(%arg5 : memref<8192xf32, #tpu.memory_space<vmem>>) target(%dma_start3A_185 : memref<8192xf32, #tpu.memory_space<hbm>>) target_semaphore(%run_scoped3A : memref<!tpu.dma_semaphore, #tpu.memory_space<semaphore_mem>>)
      %dma_wait3A = arith.constant 0 : i32
      %dma_wait3A_186 = tpu.memref_slice %arg3[%add3A_9, %dma_wait3A] : memref<64x8192xf32, #tpu.memory_space<hbm>> -> memref<1x8192xf32, #tpu.memory_space<hbm>>
      %dma_wait3A_187 = tpu.memref_squeeze %dma_wait3A_186 : memref<1x8192xf32, #tpu.memory_space<hbm>> -> memref<8192xf32, #tpu.memory_space<hbm>>
      %dma_wait3A_188 = arith.constant 0 : i32
      %dma_wait3A_189 = tpu.memref_slice %arg3[%add3A_9, %dma_wait3A_188] : memref<64x8192xf32, #tpu.memory_space<hbm>> -> memref<1x8192xf32, #tpu.memory_space<hbm>>
      %dma_wait3A_190 = tpu.memref_squeeze %dma_wait3A_189 : memref<1x8192xf32, #tpu.memory_space<hbm>> -> memref<8192xf32, #tpu.memory_space<hbm>>
      tpu.wait_dma2 semaphore(%run_scoped3A : memref<!tpu.dma_semaphore, #tpu.memory_space<semaphore_mem>>) src(%arg5 : memref<8192xf32, #tpu.memory_space<vmem>>) dst(%dma_wait3A_190 : memref<8192xf32, #tpu.memory_space<hbm>>)
      tpu.yield
    }) : () -> ()
    %mul3A_88 = arith.constant 2 : i32
    %mul3A_89 = arith.muli %add3A, %mul3A_88 : i32
    %add3A_90 = arith.constant 1 : i32
    %add3A_91 = arith.addi %mul3A_89, %add3A_90 : i32
    "tpu.region"() ({
      %run_scoped3A = tpu.sem_alloc : memref<!tpu.dma_semaphore, #tpu.memory_space<semaphore_mem>>
      %dma_start3A = arith.constant 0 : i32
      %dma_start3A_181 = tpu.memref_slice %arg2[%add3A_91, %dma_start3A] : memref<64x8192xf32, #tpu.memory_space<hbm>> -> memref<1x8192xf32, #tpu.memory_space<hbm>>
      %dma_start3A_182 = tpu.memref_squeeze %dma_start3A_181 : memref<1x8192xf32, #tpu.memory_space<hbm>> -> memref<8192xf32, #tpu.memory_space<hbm>>
      %dma_start3A_183 = arith.constant 0 : i32
      %dma_start3A_184 = tpu.memref_slice %arg2[%add3A_91, %dma_start3A_183] : memref<64x8192xf32, #tpu.memory_space<hbm>> -> memref<1x8192xf32, #tpu.memory_space<hbm>>
      %dma_start3A_185 = tpu.memref_squeeze %dma_start3A_184 : memref<1x8192xf32, #tpu.memory_space<hbm>> -> memref<8192xf32, #tpu.memory_space<hbm>>
      tpu.enqueue_dma source(%dma_start3A_185 : memref<8192xf32, #tpu.memory_space<hbm>>) target(%arg4 : memref<8192xf32, #tpu.memory_space<vmem>>) target_semaphore(%run_scoped3A : memref<!tpu.dma_semaphore, #tpu.memory_space<semaphore_mem>>)
      %dma_wait3A = arith.constant 0 : i32
      %dma_wait3A_186 = tpu.memref_slice %arg2[%add3A_91, %dma_wait3A] : memref<64x8192xf32, #tpu.memory_space<hbm>> -> memref<1x8192xf32, #tpu.memory_space<hbm>>
      %dma_wait3A_187 = tpu.memref_squeeze %dma_wait3A_186 : memref<1x8192xf32, #tpu.memory_space<hbm>> -> memref<8192xf32, #tpu.memory_space<hbm>>
      %dma_wait3A_188 = arith.constant 0 : i32
      %dma_wait3A_189 = tpu.memref_slice %arg2[%add3A_91, %dma_wait3A_188] : memref<64x8192xf32, #tpu.memory_space<hbm>> -> memref<1x8192xf32, #tpu.memory_space<hbm>>
      %dma_wait3A_190 = tpu.memref_squeeze %dma_wait3A_189 : memref<1x8192xf32, #tpu.memory_space<hbm>> -> memref<8192xf32, #tpu.memory_space<hbm>>
      tpu.wait_dma2 semaphore(%run_scoped3A : memref<!tpu.dma_semaphore, #tpu.memory_space<semaphore_mem>>) src(%dma_wait3A_190 : memref<8192xf32, #tpu.memory_space<hbm>>) dst(%arg4 : memref<8192xf32, #tpu.memory_space<vmem>>)
      tpu.yield
    }) : () -> ()
    %scan3A_92 = arith.constant 0 : i32
    %scan3A_93 = arith.constant 0 : i32
    %scan3A_94 = arith.constant 128 : i32
    %scan3A_95 = arith.addi %scan3A_93, %scan3A_94 : i32
    %scan3A_96 = arith.constant 8 : i32
    scf.for %scan3A_181 = %scan3A_93 to %scan3A_95 step %scan3A_96  : i32 {
      %mul3A_182 = arith.constant 16 : i32
      %mul3A_183 = arith.muli %scan3A_181, %mul3A_182 : i32
      %swap3A_184 = arith.index_cast %mul3A_183 : i32 to index
      %swap3A_185 = tpu.vector_load %arg6[%swap3A_184] {strides = array<i32>} : memref<2048xi32, #tpu.memory_space<vmem>>, vector<16xi32>,
      tpu.vector_store %arg6[%swap3A_184], %broadcast_in_dim3A_1 {strides = array<i32>} : memref<2048xi32, #tpu.memory_space<vmem>>, vector<16xi32>,
      %scan3A_186 = arith.constant 1 : i32
      %scan3A_187 = arith.addi %scan3A_181, %scan3A_186 : i32
      %mul3A_188 = arith.constant 16 : i32
      %mul3A_189 = arith.muli %scan3A_187, %mul3A_188 : i32
      %swap3A_190 = arith.index_cast %mul3A_189 : i32 to index
      %swap3A_191 = tpu.vector_load %arg6[%swap3A_190] {strides = array<i32>} : memref<2048xi32, #tpu.memory_space<vmem>>, vector<16xi32>,
      tpu.vector_store %arg6[%swap3A_190], %broadcast_in_dim3A_1 {strides = array<i32>} : memref<2048xi32, #tpu.memory_space<vmem>>, vector<16xi32>,
      %scan3A_192 = arith.constant 2 : i32
      %scan3A_193 = arith.addi %scan3A_181, %scan3A_192 : i32
      %mul3A_194 = arith.constant 16 : i32
      %mul3A_195 = arith.muli %scan3A_193, %mul3A_194 : i32
      %swap3A_196 = arith.index_cast %mul3A_195 : i32 to index
      %swap3A_197 = tpu.vector_load %arg6[%swap3A_196] {strides = array<i32>} : memref<2048xi32, #tpu.memory_space<vmem>>, vector<16xi32>,
      tpu.vector_store %arg6[%swap3A_196], %broadcast_in_dim3A_1 {strides = array<i32>} : memref<2048xi32, #tpu.memory_space<vmem>>, vector<16xi32>,
      %scan3A_198 = arith.constant 3 : i32
      %scan3A_199 = arith.addi %scan3A_181, %scan3A_198 : i32
      %mul3A_200 = arith.constant 16 : i32
      %mul3A_201 = arith.muli %scan3A_199, %mul3A_200 : i32
      %swap3A_202 = arith.index_cast %mul3A_201 : i32 to index
      %swap3A_203 = tpu.vector_load %arg6[%swap3A_202] {strides = array<i32>} : memref<2048xi32, #tpu.memory_space<vmem>>, vector<16xi32>,
      tpu.vector_store %arg6[%swap3A_202], %broadcast_in_dim3A_1 {strides = array<i32>} : memref<2048xi32, #tpu.memory_space<vmem>>, vector<16xi32>,
      %scan3A_204 = arith.constant 4 : i32
      %scan3A_205 = arith.addi %scan3A_181, %scan3A_204 : i32
      %mul3A_206 = arith.constant 16 : i32
      %mul3A_207 = arith.muli %scan3A_205, %mul3A_206 : i32
      %swap3A_208 = arith.index_cast %mul3A_207 : i32 to index
      %swap3A_209 = tpu.vector_load %arg6[%swap3A_208] {strides = array<i32>} : memref<2048xi32, #tpu.memory_space<vmem>>, vector<16xi32>,
      tpu.vector_store %arg6[%swap3A_208], %broadcast_in_dim3A_1 {strides = array<i32>} : memref<2048xi32, #tpu.memory_space<vmem>>, vector<16xi32>,
      %scan3A_210 = arith.constant 5 : i32
      %scan3A_211 = arith.addi %scan3A_181, %scan3A_210 : i32
      %mul3A_212 = arith.constant 16 : i32
      %mul3A_213 = arith.muli %scan3A_211, %mul3A_212 : i32
      %swap3A_214 = arith.index_cast %mul3A_213 : i32 to index
      %swap3A_215 = tpu.vector_load %arg6[%swap3A_214] {strides = array<i32>} : memref<2048xi32, #tpu.memory_space<vmem>>, vector<16xi32>,
      tpu.vector_store %arg6[%swap3A_214], %broadcast_in_dim3A_1 {strides = array<i32>} : memref<2048xi32, #tpu.memory_space<vmem>>, vector<16xi32>,
      %scan3A_216 = arith.constant 6 : i32
      %scan3A_217 = arith.addi %scan3A_181, %scan3A_216 : i32
      %mul3A_218 = arith.constant 16 : i32
      %mul3A_219 = arith.muli %scan3A_217, %mul3A_218 : i32
      %swap3A_220 = arith.index_cast %mul3A_219 : i32 to index
      %swap3A_221 = tpu.vector_load %arg6[%swap3A_220] {strides = array<i32>} : memref<2048xi32, #tpu.memory_space<vmem>>, vector<16xi32>,
      tpu.vector_store %arg6[%swap3A_220], %broadcast_in_dim3A_1 {strides = array<i32>} : memref<2048xi32, #tpu.memory_space<vmem>>, vector<16xi32>,
      %scan3A_222 = arith.constant 7 : i32
      %scan3A_223 = arith.addi %scan3A_181, %scan3A_222 : i32
      %mul3A_224 = arith.constant 16 : i32
      %mul3A_225 = arith.muli %scan3A_223, %mul3A_224 : i32
      %swap3A_226 = arith.index_cast %mul3A_225 : i32 to index
      %swap3A_227 = tpu.vector_load %arg6[%swap3A_226] {strides = array<i32>} : memref<2048xi32, #tpu.memory_space<vmem>>, vector<16xi32>,
      tpu.vector_store %arg6[%swap3A_226], %broadcast_in_dim3A_1 {strides = array<i32>} : memref<2048xi32, #tpu.memory_space<vmem>>, vector<16xi32>,
    }
    %scan3A_97 = arith.constant 128 : i32
    %scan3A_98 = arith.constant 0 : i32
    %scan3A_99 = arith.constant 0 : i32
    %scan3A_100 = arith.constant 512 : i32
    %scan3A_101 = arith.addi %scan3A_99, %scan3A_100 : i32
    %scan3A_102 = arith.constant 8 : i32
    scf.for %scan3A_181 = %scan3A_99 to %scan3A_101 step %scan3A_102  : i32 {
      %mul3A_182 = arith.constant 16 : i32
      %mul3A_183 = arith.muli %scan3A_181, %mul3A_182 : i32
      %get3A = arith.index_cast %mul3A_183 : i32 to index
      %get3A_184 = tpu.vector_load %arg4[%get3A] {strides = array<i32>} : memref<8192xf32, #tpu.memory_space<vmem>>, vector<16xf32>,
      %bitcast_convert_type3A = tpu.bitcast %get3A_184 : vector<16xf32> -> vector<16xi32>
      %shift_right_arithmetic3A = arith.constant 31 : i32
      %shift_right_arithmetic3A_185 = vector.broadcast %shift_right_arithmetic3A : i32 to vector<16xi32>
      %shift_right_arithmetic3A_186 = arith.shrsi %bitcast_convert_type3A, %shift_right_arithmetic3A_185 : vector<16xi32>
      %not3A = arith.constant dense<-1> : vector<16xi32>
      %not3A_187 = arith.xori %shift_right_arithmetic3A_186, %not3A : vector<16xi32>
      %and3A_188 = arith.constant 2147483647 : i32
      %and3A_189 = vector.broadcast %and3A_188 : i32 to vector<16xi32>
      %and3A_190 = arith.andi %not3A_187, %and3A_189 : vector<16xi32>
      %xor3A = arith.xori %bitcast_convert_type3A, %and3A_190 : vector<16xi32>
      %shift_right_logical3A = arith.constant 21 : i32
      %shift_right_logical3A_191 = vector.broadcast %shift_right_logical3A : i32 to vector<16xi32>
      %shift_right_logical3A_192 = arith.shrui %xor3A, %shift_right_logical3A_191 : vector<16xi32>
      tpu.vector_store_idx %arg6[%shift_right_logical3A_192], %broadcast_in_dim3A_3 {add = true} : memref<2048xi32, #tpu.memory_space<vmem>>[vector<16xi32>], vector<16xi32>,
      %scan3A_193 = arith.constant 1 : i32
      %scan3A_194 = arith.addi %scan3A_181, %scan3A_193 : i32
      %mul3A_195 = arith.constant 16 : i32
      %mul3A_196 = arith.muli %scan3A_194, %mul3A_195 : i32
      %get3A_197 = arith.index_cast %mul3A_196 : i32 to index
      %get3A_198 = tpu.vector_load %arg4[%get3A_197] {strides = array<i32>} : memref<8192xf32, #tpu.memory_space<vmem>>, vector<16xf32>,
      %bitcast_convert_type3A_199 = tpu.bitcast %get3A_198 : vector<16xf32> -> vector<16xi32>
      %shift_right_arithmetic3A_200 = arith.constant 31 : i32
      %shift_right_arithmetic3A_201 = vector.broadcast %shift_right_arithmetic3A_200 : i32 to vector<16xi32>
      %shift_right_arithmetic3A_202 = arith.shrsi %bitcast_convert_type3A_199, %shift_right_arithmetic3A_201 : vector<16xi32>
      %not3A_203 = arith.constant dense<-1> : vector<16xi32>
      %not3A_204 = arith.xori %shift_right_arithmetic3A_202, %not3A_203 : vector<16xi32>
      %and3A_205 = arith.constant 2147483647 : i32
      %and3A_206 = vector.broadcast %and3A_205 : i32 to vector<16xi32>
      %and3A_207 = arith.andi %not3A_204, %and3A_206 : vector<16xi32>
      %xor3A_208 = arith.xori %bitcast_convert_type3A_199, %and3A_207 : vector<16xi32>
      %shift_right_logical3A_209 = arith.constant 21 : i32
      %shift_right_logical3A_210 = vector.broadcast %shift_right_logical3A_209 : i32 to vector<16xi32>
      %shift_right_logical3A_211 = arith.shrui %xor3A_208, %shift_right_logical3A_210 : vector<16xi32>
      tpu.vector_store_idx %arg6[%shift_right_logical3A_211], %broadcast_in_dim3A_3 {add = true} : memref<2048xi32, #tpu.memory_space<vmem>>[vector<16xi32>], vector<16xi32>,
      %scan3A_212 = arith.constant 2 : i32
      %scan3A_213 = arith.addi %scan3A_181, %scan3A_212 : i32
      %mul3A_214 = arith.constant 16 : i32
      %mul3A_215 = arith.muli %scan3A_213, %mul3A_214 : i32
      %get3A_216 = arith.index_cast %mul3A_215 : i32 to index
      %get3A_217 = tpu.vector_load %arg4[%get3A_216] {strides = array<i32>} : memref<8192xf32, #tpu.memory_space<vmem>>, vector<16xf32>,
      %bitcast_convert_type3A_218 = tpu.bitcast %get3A_217 : vector<16xf32> -> vector<16xi32>
      %shift_right_arithmetic3A_219 = arith.constant 31 : i32
      %shift_right_arithmetic3A_220 = vector.broadcast %shift_right_arithmetic3A_219 : i32 to vector<16xi32>
      %shift_right_arithmetic3A_221 = arith.shrsi %bitcast_convert_type3A_218, %shift_right_arithmetic3A_220 : vector<16xi32>
      %not3A_222 = arith.constant dense<-1> : vector<16xi32>
      %not3A_223 = arith.xori %shift_right_arithmetic3A_221, %not3A_222 : vector<16xi32>
      %and3A_224 = arith.constant 2147483647 : i32
      %and3A_225 = vector.broadcast %and3A_224 : i32 to vector<16xi32>
      %and3A_226 = arith.andi %not3A_223, %and3A_225 : vector<16xi32>
      %xor3A_227 = arith.xori %bitcast_convert_type3A_218, %and3A_226 : vector<16xi32>
      %shift_right_logical3A_228 = arith.constant 21 : i32
      %shift_right_logical3A_229 = vector.broadcast %shift_right_logical3A_228 : i32 to vector<16xi32>
      %shift_right_logical3A_230 = arith.shrui %xor3A_227, %shift_right_logical3A_229 : vector<16xi32>
      tpu.vector_store_idx %arg6[%shift_right_logical3A_230], %broadcast_in_dim3A_3 {add = true} : memref<2048xi32, #tpu.memory_space<vmem>>[vector<16xi32>], vector<16xi32>,
      %scan3A_231 = arith.constant 3 : i32
      %scan3A_232 = arith.addi %scan3A_181, %scan3A_231 : i32
      %mul3A_233 = arith.constant 16 : i32
      %mul3A_234 = arith.muli %scan3A_232, %mul3A_233 : i32
      %get3A_235 = arith.index_cast %mul3A_234 : i32 to index
      %get3A_236 = tpu.vector_load %arg4[%get3A_235] {strides = array<i32>} : memref<8192xf32, #tpu.memory_space<vmem>>, vector<16xf32>,
      %bitcast_convert_type3A_237 = tpu.bitcast %get3A_236 : vector<16xf32> -> vector<16xi32>
      %shift_right_arithmetic3A_238 = arith.constant 31 : i32
      %shift_right_arithmetic3A_239 = vector.broadcast %shift_right_arithmetic3A_238 : i32 to vector<16xi32>
      %shift_right_arithmetic3A_240 = arith.shrsi %bitcast_convert_type3A_237, %shift_right_arithmetic3A_239 : vector<16xi32>
      %not3A_241 = arith.constant dense<-1> : vector<16xi32>
      %not3A_242 = arith.xori %shift_right_arithmetic3A_240, %not3A_241 : vector<16xi32>
      %and3A_243 = arith.constant 2147483647 : i32
      %and3A_244 = vector.broadcast %and3A_243 : i32 to vector<16xi32>
      %and3A_245 = arith.andi %not3A_242, %and3A_244 : vector<16xi32>
      %xor3A_246 = arith.xori %bitcast_convert_type3A_237, %and3A_245 : vector<16xi32>
      %shift_right_logical3A_247 = arith.constant 21 : i32
      %shift_right_logical3A_248 = vector.broadcast %shift_right_logical3A_247 : i32 to vector<16xi32>
      %shift_right_logical3A_249 = arith.shrui %xor3A_246, %shift_right_logical3A_248 : vector<16xi32>
      tpu.vector_store_idx %arg6[%shift_right_logical3A_249], %broadcast_in_dim3A_3 {add = true} : memref<2048xi32, #tpu.memory_space<vmem>>[vector<16xi32>], vector<16xi32>,
      %scan3A_250 = arith.constant 4 : i32
      %scan3A_251 = arith.addi %scan3A_181, %scan3A_250 : i32
      %mul3A_252 = arith.constant 16 : i32
      %mul3A_253 = arith.muli %scan3A_251, %mul3A_252 : i32
      %get3A_254 = arith.index_cast %mul3A_253 : i32 to index
      %get3A_255 = tpu.vector_load %arg4[%get3A_254] {strides = array<i32>} : memref<8192xf32, #tpu.memory_space<vmem>>, vector<16xf32>,
      %bitcast_convert_type3A_256 = tpu.bitcast %get3A_255 : vector<16xf32> -> vector<16xi32>
      %shift_right_arithmetic3A_257 = arith.constant 31 : i32
      %shift_right_arithmetic3A_258 = vector.broadcast %shift_right_arithmetic3A_257 : i32 to vector<16xi32>
      %shift_right_arithmetic3A_259 = arith.shrsi %bitcast_convert_type3A_256, %shift_right_arithmetic3A_258 : vector<16xi32>
      %not3A_260 = arith.constant dense<-1> : vector<16xi32>
      %not3A_261 = arith.xori %shift_right_arithmetic3A_259, %not3A_260 : vector<16xi32>
      %and3A_262 = arith.constant 2147483647 : i32
      %and3A_263 = vector.broadcast %and3A_262 : i32 to vector<16xi32>
      %and3A_264 = arith.andi %not3A_261, %and3A_263 : vector<16xi32>
      %xor3A_265 = arith.xori %bitcast_convert_type3A_256, %and3A_264 : vector<16xi32>
      %shift_right_logical3A_266 = arith.constant 21 : i32
      %shift_right_logical3A_267 = vector.broadcast %shift_right_logical3A_266 : i32 to vector<16xi32>
      %shift_right_logical3A_268 = arith.shrui %xor3A_265, %shift_right_logical3A_267 : vector<16xi32>
      tpu.vector_store_idx %arg6[%shift_right_logical3A_268], %broadcast_in_dim3A_3 {add = true} : memref<2048xi32, #tpu.memory_space<vmem>>[vector<16xi32>], vector<16xi32>,
      %scan3A_269 = arith.constant 5 : i32
      %scan3A_270 = arith.addi %scan3A_181, %scan3A_269 : i32
      %mul3A_271 = arith.constant 16 : i32
      %mul3A_272 = arith.muli %scan3A_270, %mul3A_271 : i32
      %get3A_273 = arith.index_cast %mul3A_272 : i32 to index
      %get3A_274 = tpu.vector_load %arg4[%get3A_273] {strides = array<i32>} : memref<8192xf32, #tpu.memory_space<vmem>>, vector<16xf32>,
      %bitcast_convert_type3A_275 = tpu.bitcast %get3A_274 : vector<16xf32> -> vector<16xi32>
      %shift_right_arithmetic3A_276 = arith.constant 31 : i32
      %shift_right_arithmetic3A_277 = vector.broadcast %shift_right_arithmetic3A_276 : i32 to vector<16xi32>
      %shift_right_arithmetic3A_278 = arith.shrsi %bitcast_convert_type3A_275, %shift_right_arithmetic3A_277 : vector<16xi32>
      %not3A_279 = arith.constant dense<-1> : vector<16xi32>
      %not3A_280 = arith.xori %shift_right_arithmetic3A_278, %not3A_279 : vector<16xi32>
      %and3A_281 = arith.constant 2147483647 : i32
      %and3A_282 = vector.broadcast %and3A_281 : i32 to vector<16xi32>
      %and3A_283 = arith.andi %not3A_280, %and3A_282 : vector<16xi32>
      %xor3A_284 = arith.xori %bitcast_convert_type3A_275, %and3A_283 : vector<16xi32>
      %shift_right_logical3A_285 = arith.constant 21 : i32
      %shift_right_logical3A_286 = vector.broadcast %shift_right_logical3A_285 : i32 to vector<16xi32>
      %shift_right_logical3A_287 = arith.shrui %xor3A_284, %shift_right_logical3A_286 : vector<16xi32>
      tpu.vector_store_idx %arg6[%shift_right_logical3A_287], %broadcast_in_dim3A_3 {add = true} : memref<2048xi32, #tpu.memory_space<vmem>>[vector<16xi32>], vector<16xi32>,
      %scan3A_288 = arith.constant 6 : i32
      %scan3A_289 = arith.addi %scan3A_181, %scan3A_288 : i32
      %mul3A_290 = arith.constant 16 : i32
      %mul3A_291 = arith.muli %scan3A_289, %mul3A_290 : i32
      %get3A_292 = arith.index_cast %mul3A_291 : i32 to index
      %get3A_293 = tpu.vector_load %arg4[%get3A_292] {strides = array<i32>} : memref<8192xf32, #tpu.memory_space<vmem>>, vector<16xf32>,
      %bitcast_convert_type3A_294 = tpu.bitcast %get3A_293 : vector<16xf32> -> vector<16xi32>
      %shift_right_arithmetic3A_295 = arith.constant 31 : i32
      %shift_right_arithmetic3A_296 = vector.broadcast %shift_right_arithmetic3A_295 : i32 to vector<16xi32>
      %shift_right_arithmetic3A_297 = arith.shrsi %bitcast_convert_type3A_294, %shift_right_arithmetic3A_296 : vector<16xi32>
      %not3A_298 = arith.constant dense<-1> : vector<16xi32>
      %not3A_299 = arith.xori %shift_right_arithmetic3A_297, %not3A_298 : vector<16xi32>
      %and3A_300 = arith.constant 2147483647 : i32
      %and3A_301 = vector.broadcast %and3A_300 : i32 to vector<16xi32>
      %and3A_302 = arith.andi %not3A_299, %and3A_301 : vector<16xi32>
      %xor3A_303 = arith.xori %bitcast_convert_type3A_294, %and3A_302 : vector<16xi32>
      %shift_right_logical3A_304 = arith.constant 21 : i32
      %shift_right_logical3A_305 = vector.broadcast %shift_right_logical3A_304 : i32 to vector<16xi32>
      %shift_right_logical3A_306 = arith.shrui %xor3A_303, %shift_right_logical3A_305 : vector<16xi32>
      tpu.vector_store_idx %arg6[%shift_right_logical3A_306], %broadcast_in_dim3A_3 {add = true} : memref<2048xi32, #tpu.memory_space<vmem>>[vector<16xi32>], vector<16xi32>,
      %scan3A_307 = arith.constant 7 : i32
      %scan3A_308 = arith.addi %scan3A_181, %scan3A_307 : i32
      %mul3A_309 = arith.constant 16 : i32
      %mul3A_310 = arith.muli %scan3A_308, %mul3A_309 : i32
      %get3A_311 = arith.index_cast %mul3A_310 : i32 to index
      %get3A_312 = tpu.vector_load %arg4[%get3A_311] {strides = array<i32>} : memref<8192xf32, #tpu.memory_space<vmem>>, vector<16xf32>,
      %bitcast_convert_type3A_313 = tpu.bitcast %get3A_312 : vector<16xf32> -> vector<16xi32>
      %shift_right_arithmetic3A_314 = arith.constant 31 : i32
      %shift_right_arithmetic3A_315 = vector.broadcast %shift_right_arithmetic3A_314 : i32 to vector<16xi32>
      %shift_right_arithmetic3A_316 = arith.shrsi %bitcast_convert_type3A_313, %shift_right_arithmetic3A_315 : vector<16xi32>
      %not3A_317 = arith.constant dense<-1> : vector<16xi32>
      %not3A_318 = arith.xori %shift_right_arithmetic3A_316, %not3A_317 : vector<16xi32>
      %and3A_319 = arith.constant 2147483647 : i32
      %and3A_320 = vector.broadcast %and3A_319 : i32 to vector<16xi32>
      %and3A_321 = arith.andi %not3A_318, %and3A_320 : vector<16xi32>
      %xor3A_322 = arith.xori %bitcast_convert_type3A_313, %and3A_321 : vector<16xi32>
      %shift_right_logical3A_323 = arith.constant 21 : i32
      %shift_right_logical3A_324 = vector.broadcast %shift_right_logical3A_323 : i32 to vector<16xi32>
      %shift_right_logical3A_325 = arith.shrui %xor3A_322, %shift_right_logical3A_324 : vector<16xi32>
      tpu.vector_store_idx %arg6[%shift_right_logical3A_325], %broadcast_in_dim3A_3 {add = true} : memref<2048xi32, #tpu.memory_space<vmem>>[vector<16xi32>], vector<16xi32>,
    }
    %scan3A_103 = arith.constant 512 : i32
    %while3A_104 = arith.constant 0 : i32
    %while3A_105 = arith.constant 0 : i32
    %while3A_106 = arith.constant false
    %while3A_107 = arith.constant 0 : i32
    %while3A_108 = arith.constant 0 : i32
    %while3A_109:5 = scf.while (%while3A_181 = %while3A_104, %while3A_182 = %while3A_105, %while3A_183 = %while3A_106, %while3A_184 = %while3A_107, %while3A_185 = %while3A_108) : (i32, i32, i1, i32, i32) -> (i32, i32, i1, i32, i32) {
      %lt3A = arith.constant 128 : i32
      %lt3A_186 = arith.cmpi slt, %while3A_181, %lt3A : i32
      %not3A = arith.constant true
      %not3A_187 = arith.xori %while3A_183, %not3A : i1
      %and3A_188 = arith.andi %lt3A_186, %not3A_187 : i1
      scf.condition(%and3A_188) %while3A_181, %while3A_182, %while3A_183, %while3A_184, %while3A_185 : i32, i32, i1, i32, i32
    } do {
    ^bb0(%while3A_181: i32, %while3A_182: i32, %while3A_183: i1, %while3A_184: i32, %while3A_185: i32):
      %mul3A_186 = arith.constant 16 : i32
      %mul3A_187 = arith.muli %while3A_181, %mul3A_186 : i32
      %get3A = arith.index_cast %mul3A_187 : i32 to index
      %get3A_188 = tpu.vector_load %arg6[%get3A] {strides = array<i32>} : memref<2048xi32, #tpu.memory_space<vmem>>, vector<16xi32>,
      %broadcast_in_dim3A_189 = arith.constant true
      %broadcast_in_dim3A_190 = vector.broadcast %broadcast_in_dim3A_189 : i1 to vector<16xi1>
      %masked_cumsum3A = tpu.scan <sum>, %get3A_188 masked %broadcast_in_dim3A_190 : vector<16xi32>, vector<16xi1> -> vector<16xi32>
      %add3A_191 = vector.broadcast %while3A_182 : i32 to vector<16xi32>
      %add3A_192 = arith.addi %masked_cumsum3A, %add3A_191 : vector<16xi32>
      %ge3A = arith.constant 256 : i32
      %ge3A_193 = vector.broadcast %ge3A : i32 to vector<16xi32>
      %ge3A_194 = arith.cmpi sge, %add3A_192, %ge3A_193 : vector<16xi32>
      %reduce_or3A = arith.constant 1.000000e+00 : f32
      %reduce_or3A_195 = arith.constant 0.000000e+00 : f32
      %reduce_or3A_196 = vector.broadcast %reduce_or3A : f32 to vector<16xf32>
      %reduce_or3A_197 = vector.broadcast %reduce_or3A_195 : f32 to vector<16xf32>
      %reduce_or3A_198 = arith.select %ge3A_194, %reduce_or3A_196, %reduce_or3A_197 : vector<16xi1>, vector<16xf32>
      %reduce_or3A_199 = arith.constant true
      %reduce_or3A_200 = vector.broadcast %reduce_or3A_199 : i1 to vector<16xi1>
      %reduce_or3A_201 = tpu.scan <max>, %reduce_or3A_198 masked %reduce_or3A_200 : vector<16xf32>, vector<16xi1> -> vector<16xf32>
      %reduce_or3A_202 = vector.extract %reduce_or3A_201[15] : f32 from vector<16xf32>
      %reduce_or3A_203 = arith.constant 0.000000e+00 : f32
      %reduce_or3A_204 = arith.cmpf ogt, %reduce_or3A_202, %reduce_or3A_203 : f32
      %all_reduce_ffs3A = tpu.all_reduce %ge3A_194 {dim = 0 : i64, kind = #tpu.reduction_kind<find_first_set>} : vector<16xi1> -> vector<16xi32>
      %sub3A_205 = arith.subi %add3A_192, %get3A_188 : vector<16xi32>
      %eq3A = arith.cmpi eq, %iota3A, %all_reduce_ffs3A : vector<16xi32>
      %jit3A_206 = arith.constant 0 : i32
      %broadcast_in_dim3A_207 = vector.broadcast %jit3A_206 : i32 to vector<16xi32>
      %select_n3A_208 = arith.select %eq3A, %sub3A_205, %broadcast_in_dim3A_207 : vector<16xi1>, vector<16xi32>
      %reduce_max3A = arith.constant true
      %reduce_max3A_209 = vector.broadcast %reduce_max3A : i1 to vector<16xi1>
      %reduce_max3A_210 = arith.constant -2147483648 : i32
      %reduce_max3A_211 = vector.broadcast %reduce_max3A_210 : i32 to vector<16xi32>
      %reduce_max3A_212 = arith.xori %select_n3A_208, %reduce_max3A_211 : vector<16xi32>
      %reduce_max3A_213 = tpu.scan <max>, %reduce_max3A_212 masked %reduce_max3A_209 : vector<16xi32>, vector<16xi1> -> vector<16xi32>
      %reduce_max3A_214 = arith.xori %reduce_max3A_213, %reduce_max3A_211 : vector<16xi32>
      %reduce_max3A_215 = vector.extract %reduce_max3A_214[15] : i32 from vector<16xi32>
      %mul3A_216 = arith.constant 16 : i32
      %mul3A_217 = arith.muli %while3A_181, %mul3A_216 : i32
      %slice3A = vector.extract_strided_slice %all_reduce_ffs3A {offsets = [0], sizes = [1], strides = [1]} : vector<16xi32> to vector<1xi32>
      %squeeze3A = vector.extract %slice3A[0] : i32 from vector<1xi32>
      %add3A_218 = arith.addi %mul3A_217, %squeeze3A : i32
      %sub3A_219 = arith.constant 256 : i32
      %sub3A_220 = arith.subi %sub3A_219, %reduce_max3A_215 : i32
      %slice3A_221 = vector.extract_strided_slice %masked_cumsum3A {offsets = [15], sizes = [1], strides = [1]} : vector<16xi32> to vector<1xi32>
      %squeeze3A_222 = vector.extract %slice3A_221[0] : i32 from vector<1xi32>
      %add3A_223 = arith.constant 1 : i32
      %add3A_224 = arith.addi %while3A_181, %add3A_223 : i32
      %add3A_225 = arith.addi %while3A_182, %squeeze3A_222 : i32
      %select_n3A_226 = arith.select %reduce_or3A_204, %add3A_218, %while3A_184 : i32
      %select_n3A_227 = arith.select %reduce_or3A_204, %sub3A_220, %while3A_185 : i32
      scf.yield %add3A_224, %add3A_225, %reduce_or3A_204, %select_n3A_226, %select_n3A_227 : i32, i32, i1, i32, i32
    }
    %scan3A_110 = arith.constant 0 : i32
    %scan3A_111 = arith.constant 0 : i32
    %scan3A_112 = arith.constant 512 : i32
    %scan3A_113 = arith.addi %scan3A_111, %scan3A_112 : i32
    %scan3A_114 = arith.constant 4 : i32
    %scan3A_115 = scf.for %scan3A_181 = %scan3A_111 to %scan3A_113 step %scan3A_114 iter_args(%scan3A_182 = %scan3A_110) -> (i32)  : i32 {
      %mul3A_183 = arith.constant 16 : i32
      %mul3A_184 = arith.muli %scan3A_181, %mul3A_183 : i32
      %get3A = arith.index_cast %mul3A_184 : i32 to index
      %get3A_185 = tpu.vector_load %arg4[%get3A] {strides = array<i32>} : memref<8192xf32, #tpu.memory_space<vmem>>, vector<16xf32>,
      %bitcast_convert_type3A = tpu.bitcast %get3A_185 : vector<16xf32> -> vector<16xi32>
      %shift_right_arithmetic3A = arith.constant 31 : i32
      %shift_right_arithmetic3A_186 = vector.broadcast %shift_right_arithmetic3A : i32 to vector<16xi32>
      %shift_right_arithmetic3A_187 = arith.shrsi %bitcast_convert_type3A, %shift_right_arithmetic3A_186 : vector<16xi32>
      %not3A = arith.constant dense<-1> : vector<16xi32>
      %not3A_188 = arith.xori %shift_right_arithmetic3A_187, %not3A : vector<16xi32>
      %and3A_189 = arith.constant 2147483647 : i32
      %and3A_190 = vector.broadcast %and3A_189 : i32 to vector<16xi32>
      %and3A_191 = arith.andi %not3A_188, %and3A_190 : vector<16xi32>
      %xor3A = arith.xori %bitcast_convert_type3A, %and3A_191 : vector<16xi32>
      %shift_right_logical3A = arith.constant 21 : i32
      %shift_right_logical3A_192 = vector.broadcast %shift_right_logical3A : i32 to vector<16xi32>
      %shift_right_logical3A_193 = arith.shrui %xor3A, %shift_right_logical3A_192 : vector<16xi32>
      %lt3A = vector.broadcast %while3A_109#3 : i32 to vector<16xi32>
      %lt3A_194 = arith.cmpi slt, %shift_right_logical3A_193, %lt3A : vector<16xi32>
      %jit3A_195 = arith.constant 1.000000e+00 : f32
      %jit3A_196 = arith.constant 0.000000e+00 : f32
      %broadcast_in_dim3A_197 = vector.broadcast %jit3A_195 : f32 to vector<16xf32>
      %broadcast_in_dim3A_198 = vector.broadcast %jit3A_196 : f32 to vector<16xf32>
      %select_n3A_199 = arith.select %lt3A_194, %broadcast_in_dim3A_197, %broadcast_in_dim3A_198 : vector<16xi1>, vector<16xf32>
      %mul3A_200 = arith.constant 16 : i32
      %mul3A_201 = arith.muli %scan3A_181, %mul3A_200 : i32
      %swap3A_202 = arith.index_cast %mul3A_201 : i32 to index
      %swap3A_203 = tpu.vector_load %arg5[%swap3A_202] {strides = array<i32>} : memref<8192xf32, #tpu.memory_space<vmem>>, vector<16xf32>,
      tpu.vector_store %arg5[%swap3A_202], %select_n3A_199 {strides = array<i32>} : memref<8192xf32, #tpu.memory_space<vmem>>, vector<16xf32>,
      %eq3A = vector.broadcast %while3A_109#3 : i32 to vector<16xi32>
      %eq3A_204 = arith.cmpi eq, %shift_right_logical3A_193, %eq3A : vector<16xi32>
      %and3A_205 = arith.constant 2097151 : i32
      %and3A_206 = vector.broadcast %and3A_205 : i32 to vector<16xi32>
      %and3A_207 = arith.andi %xor3A, %and3A_206 : vector<16xi32>
      %mul3A_208 = arith.constant 16 : i32
      %mul3A_209 = arith.muli %scan3A_181, %mul3A_208 : i32
      %add3A_210 = vector.broadcast %mul3A_209 : i32 to vector<16xi32>
      %add3A_211 = arith.addi %iota3A, %add3A_210 : vector<16xi32>
      %swap3A_212 = arith.index_cast %scan3A_182 : i32 to index
      %swap3A_213 = tpu.vector_load %arg7[%swap3A_212] masked %eq3A_204 {strides = array<i32>} : memref<8208xi32, #tpu.memory_space<vmem>>, vector<16xi32>, vector<16xi1>
      tpu.vector_store %arg7[%swap3A_212], %and3A_207 masked %eq3A_204 {strides = array<i32>} : memref<8208xi32, #tpu.memory_space<vmem>>, vector<16xi32>, vector<16xi1>
      %swap3A_214 = arith.index_cast %scan3A_182 : i32 to index
      %swap3A_215 = tpu.vector_load %arg8[%swap3A_214] masked %eq3A_204 {strides = array<i32>} : memref<8208xi32, #tpu.memory_space<vmem>>, vector<16xi32>, vector<16xi1>
      tpu.vector_store %arg8[%swap3A_214], %add3A_211 masked %eq3A_204 {strides = array<i32>} : memref<8208xi32, #tpu.memory_space<vmem>>, vector<16xi32>, vector<16xi1>
      %all_reduce_population_count3A = tpu.all_reduce %eq3A_204 {dim = 0 : i64, kind = #tpu.reduction_kind<sum>} : vector<16xi1> -> vector<16xi32>
      %slice3A = vector.extract_strided_slice %all_reduce_population_count3A {offsets = [0], sizes = [1], strides = [1]} : vector<16xi32> to vector<1xi32>
      %squeeze3A = vector.extract %slice3A[0] : i32 from vector<1xi32>
      %add3A_216 = arith.addi %scan3A_182, %squeeze3A : i32
      %scan3A_217 = arith.constant 1 : i32
      %scan3A_218 = arith.addi %scan3A_181, %scan3A_217 : i32
      %mul3A_219 = arith.constant 16 : i32
      %mul3A_220 = arith.muli %scan3A_218, %mul3A_219 : i32
      %get3A_221 = arith.index_cast %mul3A_220 : i32 to index
      %get3A_222 = tpu.vector_load %arg4[%get3A_221] {strides = array<i32>} : memref<8192xf32, #tpu.memory_space<vmem>>, vector<16xf32>,
      %bitcast_convert_type3A_223 = tpu.bitcast %get3A_222 : vector<16xf32> -> vector<16xi32>
      %shift_right_arithmetic3A_224 = arith.constant 31 : i32
      %shift_right_arithmetic3A_225 = vector.broadcast %shift_right_arithmetic3A_224 : i32 to vector<16xi32>
      %shift_right_arithmetic3A_226 = arith.shrsi %bitcast_convert_type3A_223, %shift_right_arithmetic3A_225 : vector<16xi32>
      %not3A_227 = arith.constant dense<-1> : vector<16xi32>
      %not3A_228 = arith.xori %shift_right_arithmetic3A_226, %not3A_227 : vector<16xi32>
      %and3A_229 = arith.constant 2147483647 : i32
      %and3A_230 = vector.broadcast %and3A_229 : i32 to vector<16xi32>
      %and3A_231 = arith.andi %not3A_228, %and3A_230 : vector<16xi32>
      %xor3A_232 = arith.xori %bitcast_convert_type3A_223, %and3A_231 : vector<16xi32>
      %shift_right_logical3A_233 = arith.constant 21 : i32
      %shift_right_logical3A_234 = vector.broadcast %shift_right_logical3A_233 : i32 to vector<16xi32>
      %shift_right_logical3A_235 = arith.shrui %xor3A_232, %shift_right_logical3A_234 : vector<16xi32>
      %lt3A_236 = vector.broadcast %while3A_109#3 : i32 to vector<16xi32>
      %lt3A_237 = arith.cmpi slt, %shift_right_logical3A_235, %lt3A_236 : vector<16xi32>
      %jit3A_238 = arith.constant 1.000000e+00 : f32
      %jit3A_239 = arith.constant 0.000000e+00 : f32
      %broadcast_in_dim3A_240 = vector.broadcast %jit3A_238 : f32 to vector<16xf32>
      %broadcast_in_dim3A_241 = vector.broadcast %jit3A_239 : f32 to vector<16xf32>
      %select_n3A_242 = arith.select %lt3A_237, %broadcast_in_dim3A_240, %broadcast_in_dim3A_241 : vector<16xi1>, vector<16xf32>
      %mul3A_243 = arith.constant 16 : i32
      %mul3A_244 = arith.muli %scan3A_218, %mul3A_243 : i32
      %swap3A_245 = arith.index_cast %mul3A_244 : i32 to index
      %swap3A_246 = tpu.vector_load %arg5[%swap3A_245] {strides = array<i32>} : memref<8192xf32, #tpu.memory_space<vmem>>, vector<16xf32>,
      tpu.vector_store %arg5[%swap3A_245], %select_n3A_242 {strides = array<i32>} : memref<8192xf32, #tpu.memory_space<vmem>>, vector<16xf32>,
      %eq3A_247 = vector.broadcast %while3A_109#3 : i32 to vector<16xi32>
      %eq3A_248 = arith.cmpi eq, %shift_right_logical3A_235, %eq3A_247 : vector<16xi32>
      %and3A_249 = arith.constant 2097151 : i32
      %and3A_250 = vector.broadcast %and3A_249 : i32 to vector<16xi32>
      %and3A_251 = arith.andi %xor3A_232, %and3A_250 : vector<16xi32>
      %mul3A_252 = arith.constant 16 : i32
      %mul3A_253 = arith.muli %scan3A_218, %mul3A_252 : i32
      %add3A_254 = vector.broadcast %mul3A_253 : i32 to vector<16xi32>
      %add3A_255 = arith.addi %iota3A, %add3A_254 : vector<16xi32>
      %swap3A_256 = arith.index_cast %add3A_216 : i32 to index
      %swap3A_257 = tpu.vector_load %arg7[%swap3A_256] masked %eq3A_248 {strides = array<i32>} : memref<8208xi32, #tpu.memory_space<vmem>>, vector<16xi32>, vector<16xi1>
      tpu.vector_store %arg7[%swap3A_256], %and3A_251 masked %eq3A_248 {strides = array<i32>} : memref<8208xi32, #tpu.memory_space<vmem>>, vector<16xi32>, vector<16xi1>
      %swap3A_258 = arith.index_cast %add3A_216 : i32 to index
      %swap3A_259 = tpu.vector_load %arg8[%swap3A_258] masked %eq3A_248 {strides = array<i32>} : memref<8208xi32, #tpu.memory_space<vmem>>, vector<16xi32>, vector<16xi1>
      tpu.vector_store %arg8[%swap3A_258], %add3A_255 masked %eq3A_248 {strides = array<i32>} : memref<8208xi32, #tpu.memory_space<vmem>>, vector<16xi32>, vector<16xi1>
      %all_reduce_population_count3A_260 = tpu.all_reduce %eq3A_248 {dim = 0 : i64, kind = #tpu.reduction_kind<sum>} : vector<16xi1> -> vector<16xi32>
      %slice3A_261 = vector.extract_strided_slice %all_reduce_population_count3A_260 {offsets = [0], sizes = [1], strides = [1]} : vector<16xi32> to vector<1xi32>
      %squeeze3A_262 = vector.extract %slice3A_261[0] : i32 from vector<1xi32>
      %add3A_263 = arith.addi %add3A_216, %squeeze3A_262 : i32
      %scan3A_264 = arith.constant 2 : i32
      %scan3A_265 = arith.addi %scan3A_181, %scan3A_264 : i32
      %mul3A_266 = arith.constant 16 : i32
      %mul3A_267 = arith.muli %scan3A_265, %mul3A_266 : i32
      %get3A_268 = arith.index_cast %mul3A_267 : i32 to index
      %get3A_269 = tpu.vector_load %arg4[%get3A_268] {strides = array<i32>} : memref<8192xf32, #tpu.memory_space<vmem>>, vector<16xf32>,
      %bitcast_convert_type3A_270 = tpu.bitcast %get3A_269 : vector<16xf32> -> vector<16xi32>
      %shift_right_arithmetic3A_271 = arith.constant 31 : i32
      %shift_right_arithmetic3A_272 = vector.broadcast %shift_right_arithmetic3A_271 : i32 to vector<16xi32>
      %shift_right_arithmetic3A_273 = arith.shrsi %bitcast_convert_type3A_270, %shift_right_arithmetic3A_272 : vector<16xi32>
      %not3A_274 = arith.constant dense<-1> : vector<16xi32>
      %not3A_275 = arith.xori %shift_right_arithmetic3A_273, %not3A_274 : vector<16xi32>
      %and3A_276 = arith.constant 2147483647 : i32
      %and3A_277 = vector.broadcast %and3A_276 : i32 to vector<16xi32>
      %and3A_278 = arith.andi %not3A_275, %and3A_277 : vector<16xi32>
      %xor3A_279 = arith.xori %bitcast_convert_type3A_270, %and3A_278 : vector<16xi32>
      %shift_right_logical3A_280 = arith.constant 21 : i32
      %shift_right_logical3A_281 = vector.broadcast %shift_right_logical3A_280 : i32 to vector<16xi32>
      %shift_right_logical3A_282 = arith.shrui %xor3A_279, %shift_right_logical3A_281 : vector<16xi32>
      %lt3A_283 = vector.broadcast %while3A_109#3 : i32 to vector<16xi32>
      %lt3A_284 = arith.cmpi slt, %shift_right_logical3A_282, %lt3A_283 : vector<16xi32>
      %jit3A_285 = arith.constant 1.000000e+00 : f32
      %jit3A_286 = arith.constant 0.000000e+00 : f32
      %broadcast_in_dim3A_287 = vector.broadcast %jit3A_285 : f32 to vector<16xf32>
      %broadcast_in_dim3A_288 = vector.broadcast %jit3A_286 : f32 to vector<16xf32>
      %select_n3A_289 = arith.select %lt3A_284, %broadcast_in_dim3A_287, %broadcast_in_dim3A_288 : vector<16xi1>, vector<16xf32>
      %mul3A_290 = arith.constant 16 : i32
      %mul3A_291 = arith.muli %scan3A_265, %mul3A_290 : i32
      %swap3A_292 = arith.index_cast %mul3A_291 : i32 to index
      %swap3A_293 = tpu.vector_load %arg5[%swap3A_292] {strides = array<i32>} : memref<8192xf32, #tpu.memory_space<vmem>>, vector<16xf32>,
      tpu.vector_store %arg5[%swap3A_292], %select_n3A_289 {strides = array<i32>} : memref<8192xf32, #tpu.memory_space<vmem>>, vector<16xf32>,
      %eq3A_294 = vector.broadcast %while3A_109#3 : i32 to vector<16xi32>
      %eq3A_295 = arith.cmpi eq, %shift_right_logical3A_282, %eq3A_294 : vector<16xi32>
      %and3A_296 = arith.constant 2097151 : i32
      %and3A_297 = vector.broadcast %and3A_296 : i32 to vector<16xi32>
      %and3A_298 = arith.andi %xor3A_279, %and3A_297 : vector<16xi32>
      %mul3A_299 = arith.constant 16 : i32
      %mul3A_300 = arith.muli %scan3A_265, %mul3A_299 : i32
      %add3A_301 = vector.broadcast %mul3A_300 : i32 to vector<16xi32>
      %add3A_302 = arith.addi %iota3A, %add3A_301 : vector<16xi32>
      %swap3A_303 = arith.index_cast %add3A_263 : i32 to index
      %swap3A_304 = tpu.vector_load %arg7[%swap3A_303] masked %eq3A_295 {strides = array<i32>} : memref<8208xi32, #tpu.memory_space<vmem>>, vector<16xi32>, vector<16xi1>
      tpu.vector_store %arg7[%swap3A_303], %and3A_298 masked %eq3A_295 {strides = array<i32>} : memref<8208xi32, #tpu.memory_space<vmem>>, vector<16xi32>, vector<16xi1>
      %swap3A_305 = arith.index_cast %add3A_263 : i32 to index
      %swap3A_306 = tpu.vector_load %arg8[%swap3A_305] masked %eq3A_295 {strides = array<i32>} : memref<8208xi32, #tpu.memory_space<vmem>>, vector<16xi32>, vector<16xi1>
      tpu.vector_store %arg8[%swap3A_305], %add3A_302 masked %eq3A_295 {strides = array<i32>} : memref<8208xi32, #tpu.memory_space<vmem>>, vector<16xi32>, vector<16xi1>
      %all_reduce_population_count3A_307 = tpu.all_reduce %eq3A_295 {dim = 0 : i64, kind = #tpu.reduction_kind<sum>} : vector<16xi1> -> vector<16xi32>
      %slice3A_308 = vector.extract_strided_slice %all_reduce_population_count3A_307 {offsets = [0], sizes = [1], strides = [1]} : vector<16xi32> to vector<1xi32>
      %squeeze3A_309 = vector.extract %slice3A_308[0] : i32 from vector<1xi32>
      %add3A_310 = arith.addi %add3A_263, %squeeze3A_309 : i32
      %scan3A_311 = arith.constant 3 : i32
      %scan3A_312 = arith.addi %scan3A_181, %scan3A_311 : i32
      %mul3A_313 = arith.constant 16 : i32
      %mul3A_314 = arith.muli %scan3A_312, %mul3A_313 : i32
      %get3A_315 = arith.index_cast %mul3A_314 : i32 to index
      %get3A_316 = tpu.vector_load %arg4[%get3A_315] {strides = array<i32>} : memref<8192xf32, #tpu.memory_space<vmem>>, vector<16xf32>,
      %bitcast_convert_type3A_317 = tpu.bitcast %get3A_316 : vector<16xf32> -> vector<16xi32>
      %shift_right_arithmetic3A_318 = arith.constant 31 : i32
      %shift_right_arithmetic3A_319 = vector.broadcast %shift_right_arithmetic3A_318 : i32 to vector<16xi32>
      %shift_right_arithmetic3A_320 = arith.shrsi %bitcast_convert_type3A_317, %shift_right_arithmetic3A_319 : vector<16xi32>
      %not3A_321 = arith.constant dense<-1> : vector<16xi32>
      %not3A_322 = arith.xori %shift_right_arithmetic3A_320, %not3A_321 : vector<16xi32>
      %and3A_323 = arith.constant 2147483647 : i32
      %and3A_324 = vector.broadcast %and3A_323 : i32 to vector<16xi32>
      %and3A_325 = arith.andi %not3A_322, %and3A_324 : vector<16xi32>
      %xor3A_326 = arith.xori %bitcast_convert_type3A_317, %and3A_325 : vector<16xi32>
      %shift_right_logical3A_327 = arith.constant 21 : i32
      %shift_right_logical3A_328 = vector.broadcast %shift_right_logical3A_327 : i32 to vector<16xi32>
      %shift_right_logical3A_329 = arith.shrui %xor3A_326, %shift_right_logical3A_328 : vector<16xi32>
      %lt3A_330 = vector.broadcast %while3A_109#3 : i32 to vector<16xi32>
      %lt3A_331 = arith.cmpi slt, %shift_right_logical3A_329, %lt3A_330 : vector<16xi32>
      %jit3A_332 = arith.constant 1.000000e+00 : f32
      %jit3A_333 = arith.constant 0.000000e+00 : f32
      %broadcast_in_dim3A_334 = vector.broadcast %jit3A_332 : f32 to vector<16xf32>
      %broadcast_in_dim3A_335 = vector.broadcast %jit3A_333 : f32 to vector<16xf32>
      %select_n3A_336 = arith.select %lt3A_331, %broadcast_in_dim3A_334, %broadcast_in_dim3A_335 : vector<16xi1>, vector<16xf32>
      %mul3A_337 = arith.constant 16 : i32
      %mul3A_338 = arith.muli %scan3A_312, %mul3A_337 : i32
      %swap3A_339 = arith.index_cast %mul3A_338 : i32 to index
      %swap3A_340 = tpu.vector_load %arg5[%swap3A_339] {strides = array<i32>} : memref<8192xf32, #tpu.memory_space<vmem>>, vector<16xf32>,
      tpu.vector_store %arg5[%swap3A_339], %select_n3A_336 {strides = array<i32>} : memref<8192xf32, #tpu.memory_space<vmem>>, vector<16xf32>,
      %eq3A_341 = vector.broadcast %while3A_109#3 : i32 to vector<16xi32>
      %eq3A_342 = arith.cmpi eq, %shift_right_logical3A_329, %eq3A_341 : vector<16xi32>
      %and3A_343 = arith.constant 2097151 : i32
      %and3A_344 = vector.broadcast %and3A_343 : i32 to vector<16xi32>
      %and3A_345 = arith.andi %xor3A_326, %and3A_344 : vector<16xi32>
      %mul3A_346 = arith.constant 16 : i32
      %mul3A_347 = arith.muli %scan3A_312, %mul3A_346 : i32
      %add3A_348 = vector.broadcast %mul3A_347 : i32 to vector<16xi32>
      %add3A_349 = arith.addi %iota3A, %add3A_348 : vector<16xi32>
      %swap3A_350 = arith.index_cast %add3A_310 : i32 to index
      %swap3A_351 = tpu.vector_load %arg7[%swap3A_350] masked %eq3A_342 {strides = array<i32>} : memref<8208xi32, #tpu.memory_space<vmem>>, vector<16xi32>, vector<16xi1>
      tpu.vector_store %arg7[%swap3A_350], %and3A_345 masked %eq3A_342 {strides = array<i32>} : memref<8208xi32, #tpu.memory_space<vmem>>, vector<16xi32>, vector<16xi1>
      %swap3A_352 = arith.index_cast %add3A_310 : i32 to index
      %swap3A_353 = tpu.vector_load %arg8[%swap3A_352] masked %eq3A_342 {strides = array<i32>} : memref<8208xi32, #tpu.memory_space<vmem>>, vector<16xi32>, vector<16xi1>
      tpu.vector_store %arg8[%swap3A_352], %add3A_349 masked %eq3A_342 {strides = array<i32>} : memref<8208xi32, #tpu.memory_space<vmem>>, vector<16xi32>, vector<16xi1>
      %all_reduce_population_count3A_354 = tpu.all_reduce %eq3A_342 {dim = 0 : i64, kind = #tpu.reduction_kind<sum>} : vector<16xi1> -> vector<16xi32>
      %slice3A_355 = vector.extract_strided_slice %all_reduce_population_count3A_354 {offsets = [0], sizes = [1], strides = [1]} : vector<16xi32> to vector<1xi32>
      %squeeze3A_356 = vector.extract %slice3A_355[0] : i32 from vector<1xi32>
      %add3A_357 = arith.addi %add3A_310, %squeeze3A_356 : i32
      scf.yield %add3A_357 : i32
    }
    %scan3A_116 = arith.constant 512 : i32
    %broadcast_in_dim3A_117 = arith.constant 2097151 : i32
    %broadcast_in_dim3A_118 = vector.broadcast %broadcast_in_dim3A_117 : i32 to vector<16xi32>
    %swap3A_119 = arith.index_cast %scan3A_115 : i32 to index
    %swap3A_120 = tpu.vector_load %arg7[%swap3A_119] {strides = array<i32>} : memref<8208xi32, #tpu.memory_space<vmem>>, vector<16xi32>,
    tpu.vector_store %arg7[%swap3A_119], %broadcast_in_dim3A_118 {strides = array<i32>} : memref<8208xi32, #tpu.memory_space<vmem>>, vector<16xi32>,
    %add3A_121 = arith.constant 16 : i32
    %add3A_122 = arith.addi %scan3A_115, %add3A_121 : i32
    %sub3A_123 = arith.constant 1 : i32
    %sub3A_124 = arith.subi %add3A_122, %sub3A_123 : i32
    %jit3A_125 = arith.constant 16 : i32
    %div3A_126 = arith.divsi %sub3A_124, %jit3A_125 : i32
    %sign3A_127 = arith.constant 0 : i32
    %sign3A_128 = arith.cmpi sgt, %sub3A_124, %sign3A_127 : i32
    %sign3A_129 = arith.extui %sign3A_128 : i1 to i32
    %sign3A_130 = arith.constant 0 : i32
    %sign3A_131 = arith.cmpi slt, %sub3A_124, %sign3A_130 : i32
    %sign3A_132 = arith.extui %sign3A_131 : i1 to i32
    %sign3A_133 = arith.subi %sign3A_129, %sign3A_132 : i32
    %sign3A_134 = arith.constant 0 : i32
    %sign3A_135 = arith.cmpi sgt, %jit3A_125, %sign3A_134 : i32
    %sign3A_136 = arith.extui %sign3A_135 : i1 to i32
    %sign3A_137 = arith.constant 0 : i32
    %sign3A_138 = arith.cmpi slt, %jit3A_125, %sign3A_137 : i32
    %sign3A_139 = arith.extui %sign3A_138 : i1 to i32
    %sign3A_140 = arith.subi %sign3A_136, %sign3A_139 : i32
    %ne3A_141 = arith.cmpi ne, %sign3A_133, %sign3A_140 : i32
    %rem3A_142 = arith.remsi %sub3A_124, %jit3A_125 : i32
    %ne3A_143 = arith.constant 0 : i32
    %ne3A_144 = arith.cmpi ne, %rem3A_142, %ne3A_143 : i32
    %and3A_145 = arith.andi %ne3A_141, %ne3A_144 : i1
    %sub3A_146 = arith.constant 1 : i32
    %sub3A_147 = arith.subi %div3A_126, %sub3A_146 : i32
    %select_n3A_148 = arith.select %and3A_145, %sub3A_147, %div3A_126 : i32
    %scan3A_149 = arith.constant 0 : i32
    %scan3A_150 = arith.constant 0 : i32
    %scan3A_151 = arith.constant 21 : i32
    %scan3A_152 = arith.addi %scan3A_150, %scan3A_151 : i32
    %scan3A_153 = arith.constant 1 : i32
    %scan3A_154 = scf.for %scan3A_181 = %scan3A_150 to %scan3A_152 step %scan3A_153 iter_args(%scan3A_182 = %scan3A_149) -> (i32)  : i32 {
      %sub3A_183 = arith.constant 20 : i32
      %sub3A_184 = arith.subi %sub3A_183, %scan3A_181 : i32
      %shift_left3A = arith.constant 1 : i32
      %shift_left3A_185 = arith.shli %shift_left3A, %sub3A_184 : i32
      %or3A = arith.ori %scan3A_182, %shift_left3A_185 : i32
      %while3A_186 = arith.constant 0 : i32
      %while3A_187 = arith.constant 0 : i32
      %while3A_188 = arith.subi %select_n3A_148, %while3A_186 : i32
      %while3A_189 = arith.addi %while3A_186, %while3A_188 : i32
      %while3A_190 = arith.constant 1 : i32
      %while3A_191 = arith.divsi %while3A_188, %while3A_190 : i32
      %while3A_192 = arith.muli %while3A_191, %while3A_190 : i32
      %while3A_193 = arith.addi %while3A_186, %while3A_192 : i32
      %while3A_194 = arith.constant 1 : i32
      %while3A_195 = scf.for %while3A_199 = %while3A_186 to %while3A_193 step %while3A_194 iter_args(%while3A_200 = %while3A_187) -> (i32)  : i32 {
        %mul3A_201 = arith.constant 16 : i32
        %mul3A_202 = arith.muli %while3A_199, %mul3A_201 : i32
        %get3A = arith.index_cast %mul3A_202 : i32 to index
        %get3A_203 = tpu.vector_load %arg7[%get3A] {strides = array<i32>} : memref<8208xi32, #tpu.memory_space<vmem>>, vector<16xi32>,
        %lt3A = vector.broadcast %or3A : i32 to vector<16xi32>
        %lt3A_204 = arith.cmpi slt, %get3A_203, %lt3A : vector<16xi32>
        %all_reduce_population_count3A = tpu.all_reduce %lt3A_204 {dim = 0 : i64, kind = #tpu.reduction_kind<sum>} : vector<16xi1> -> vector<16xi32>
        %slice3A = vector.extract_strided_slice %all_reduce_population_count3A {offsets = [0], sizes = [1], strides = [1]} : vector<16xi32> to vector<1xi32>
        %squeeze3A = vector.extract %slice3A[0] : i32 from vector<1xi32>
        %add3A_205 = arith.addi %while3A_200, %squeeze3A : i32
        scf.yield %add3A_205 : i32
      }
      %while3A_196 = arith.constant 1 : i32
      %while3A_197 = scf.for %while3A_199 = %while3A_193 to %while3A_189 step %while3A_196 iter_args(%while3A_200 = %while3A_195) -> (i32)  : i32 {
        %mul3A_201 = arith.constant 16 : i32
        %mul3A_202 = arith.muli %while3A_199, %mul3A_201 : i32
        %get3A = arith.index_cast %mul3A_202 : i32 to index
        %get3A_203 = tpu.vector_load %arg7[%get3A] {strides = array<i32>} : memref<8208xi32, #tpu.memory_space<vmem>>, vector<16xi32>,
        %lt3A = vector.broadcast %or3A : i32 to vector<16xi32>
        %lt3A_204 = arith.cmpi slt, %get3A_203, %lt3A : vector<16xi32>
        %all_reduce_population_count3A = tpu.all_reduce %lt3A_204 {dim = 0 : i64, kind = #tpu.reduction_kind<sum>} : vector<16xi1> -> vector<16xi32>
        %slice3A = vector.extract_strided_slice %all_reduce_population_count3A {offsets = [0], sizes = [1], strides = [1]} : vector<16xi32> to vector<1xi32>
        %squeeze3A = vector.extract %slice3A[0] : i32 from vector<1xi32>
        %add3A_205 = arith.addi %while3A_200, %squeeze3A : i32
        scf.yield %add3A_205 : i32
      }
      %ge3A = arith.cmpi sge, %while3A_197, %while3A_109#4 : i32
      %select_n3A_198 = arith.select %ge3A, %scan3A_182, %or3A : i32
      scf.yield %select_n3A_198 : i32
    }
    %scan3A_155 = arith.constant 21 : i32
    %while3A_156 = arith.constant 0 : i32
    %while3A_157 = arith.constant 0 : i32
    %while3A_158 = arith.subi %select_n3A_148, %while3A_156 : i32
    %while3A_159 = arith.addi %while3A_156, %while3A_158 : i32
    %while3A_160 = arith.constant 1 : i32
    %while3A_161 = arith.divsi %while3A_158, %while3A_160 : i32
    %while3A_162 = arith.muli %while3A_161, %while3A_160 : i32
    %while3A_163 = arith.addi %while3A_156, %while3A_162 : i32
    %while3A_164 = arith.constant 1 : i32
    %while3A_165 = scf.for %while3A_181 = %while3A_156 to %while3A_163 step %while3A_164 iter_args(%while3A_182 = %while3A_157) -> (i32)  : i32 {
      %mul3A_183 = arith.constant 16 : i32
      %mul3A_184 = arith.muli %while3A_181, %mul3A_183 : i32
      %get3A = arith.index_cast %mul3A_184 : i32 to index
      %get3A_185 = tpu.vector_load %arg7[%get3A] {strides = array<i32>} : memref<8208xi32, #tpu.memory_space<vmem>>, vector<16xi32>,
      %lt3A = vector.broadcast %scan3A_154 : i32 to vector<16xi32>
      %lt3A_186 = arith.cmpi slt, %get3A_185, %lt3A : vector<16xi32>
      %all_reduce_population_count3A = tpu.all_reduce %lt3A_186 {dim = 0 : i64, kind = #tpu.reduction_kind<sum>} : vector<16xi1> -> vector<16xi32>
      %slice3A = vector.extract_strided_slice %all_reduce_population_count3A {offsets = [0], sizes = [1], strides = [1]} : vector<16xi32> to vector<1xi32>
      %squeeze3A = vector.extract %slice3A[0] : i32 from vector<1xi32>
      %add3A_187 = arith.addi %while3A_182, %squeeze3A : i32
      scf.yield %add3A_187 : i32
    }
    %while3A_166 = arith.constant 1 : i32
    %while3A_167 = scf.for %while3A_181 = %while3A_163 to %while3A_159 step %while3A_166 iter_args(%while3A_182 = %while3A_165) -> (i32)  : i32 {
      %mul3A_183 = arith.constant 16 : i32
      %mul3A_184 = arith.muli %while3A_181, %mul3A_183 : i32
      %get3A = arith.index_cast %mul3A_184 : i32 to index
      %get3A_185 = tpu.vector_load %arg7[%get3A] {strides = array<i32>} : memref<8208xi32, #tpu.memory_space<vmem>>, vector<16xi32>,
      %lt3A = vector.broadcast %scan3A_154 : i32 to vector<16xi32>
      %lt3A_186 = arith.cmpi slt, %get3A_185, %lt3A : vector<16xi32>
      %all_reduce_population_count3A = tpu.all_reduce %lt3A_186 {dim = 0 : i64, kind = #tpu.reduction_kind<sum>} : vector<16xi1> -> vector<16xi32>
      %slice3A = vector.extract_strided_slice %all_reduce_population_count3A {offsets = [0], sizes = [1], strides = [1]} : vector<16xi32> to vector<1xi32>
      %squeeze3A = vector.extract %slice3A[0] : i32 from vector<1xi32>
      %add3A_187 = arith.addi %while3A_182, %squeeze3A : i32
      scf.yield %add3A_187 : i32
    }
    %sub3A_168 = arith.subi %while3A_109#4, %while3A_167 : i32
    %while3A_169 = arith.constant 0 : i32
    %while3A_170 = arith.constant 0 : i32
    %while3A_171 = arith.subi %select_n3A_148, %while3A_169 : i32
    %while3A_172 = arith.addi %while3A_169, %while3A_171 : i32
    %while3A_173 = arith.constant 1 : i32
    %while3A_174 = arith.divsi %while3A_171, %while3A_173 : i32
    %while3A_175 = arith.muli %while3A_174, %while3A_173 : i32
    %while3A_176 = arith.addi %while3A_169, %while3A_175 : i32
    %while3A_177 = arith.constant 1 : i32
    %while3A_178 = scf.for %while3A_181 = %while3A_169 to %while3A_176 step %while3A_177 iter_args(%while3A_182 = %while3A_170) -> (i32)  : i32 {
      %mul3A_183 = arith.constant 16 : i32
      %mul3A_184 = arith.muli %while3A_181, %mul3A_183 : i32
      %get3A = arith.index_cast %mul3A_184 : i32 to index
      %get3A_185 = tpu.vector_load %arg7[%get3A] {strides = array<i32>} : memref<8208xi32, #tpu.memory_space<vmem>>, vector<16xi32>,
      %mul3A_186 = arith.constant 16 : i32
      %mul3A_187 = arith.muli %while3A_181, %mul3A_186 : i32
      %get3A_188 = arith.index_cast %mul3A_187 : i32 to index
      %get3A_189 = tpu.vector_load %arg8[%get3A_188] {strides = array<i32>} : memref<8208xi32, #tpu.memory_space<vmem>>, vector<16xi32>,
      %mul3A_190 = arith.constant 16 : i32
      %mul3A_191 = arith.muli %while3A_181, %mul3A_190 : i32
      %add3A_192 = vector.broadcast %mul3A_191 : i32 to vector<16xi32>
      %add3A_193 = arith.addi %iota3A, %add3A_192 : vector<16xi32>
      %lt3A = vector.broadcast %scan3A_115 : i32 to vector<16xi32>
      %lt3A_194 = arith.cmpi slt, %add3A_193, %lt3A : vector<16xi32>
      %lt3A_195 = vector.broadcast %scan3A_154 : i32 to vector<16xi32>
      %lt3A_196 = arith.cmpi slt, %get3A_185, %lt3A_195 : vector<16xi32>
      %and3A_197 = arith.andi %lt3A_196, %lt3A_194 : vector<16xi1>
      %eq3A = vector.broadcast %scan3A_154 : i32 to vector<16xi32>
      %eq3A_198 = arith.cmpi eq, %get3A_185, %eq3A : vector<16xi32>
      %and3A_199 = arith.andi %eq3A_198, %lt3A_194 : vector<16xi1>
      %convert_element_type3A = arith.extui %and3A_199 : vector<16xi1> to vector<16xi32>
      %broadcast_in_dim3A_200 = arith.constant true
      %broadcast_in_dim3A_201 = vector.broadcast %broadcast_in_dim3A_200 : i1 to vector<16xi1>
      %masked_cumsum3A = tpu.scan <sum>, %convert_element_type3A masked %broadcast_in_dim3A_201 : vector<16xi32>, vector<16xi1> -> vector<16xi32>
      %add3A_202 = vector.broadcast %while3A_182 : i32 to vector<16xi32>
      %add3A_203 = arith.addi %masked_cumsum3A, %add3A_202 : vector<16xi32>
      %le3A = vector.broadcast %sub3A_168 : i32 to vector<16xi32>
      %le3A_204 = arith.cmpi sle, %add3A_203, %le3A : vector<16xi32>
      %and3A_205 = arith.andi %and3A_199, %le3A_204 : vector<16xi1>
      %or3A = arith.ori %and3A_197, %and3A_205 : vector<16xi1>
      tpu.vector_store_idx %arg5[%get3A_189], %broadcast_in_dim3A_5 masked %or3A : memref<8192xf32, #tpu.memory_space<vmem>>[vector<16xi32>], vector<16xf32>, vector<16xi1>
      %all_reduce_population_count3A = tpu.all_reduce %and3A_199 {dim = 0 : i64, kind = #tpu.reduction_kind<sum>} : vector<16xi1> -> vector<16xi32>
      %slice3A = vector.extract_strided_slice %all_reduce_population_count3A {offsets = [0], sizes = [1], strides = [1]} : vector<16xi32> to vector<1xi32>
      %squeeze3A = vector.extract %slice3A[0] : i32 from vector<1xi32>
      %add3A_206 = arith.addi %while3A_182, %squeeze3A : i32
      scf.yield %add3A_206 : i32
    }
    %while3A_179 = arith.constant 1 : i32
    %while3A_180 = scf.for %while3A_181 = %while3A_176 to %while3A_172 step %while3A_179 iter_args(%while3A_182 = %while3A_178) -> (i32)  : i32 {
      %mul3A_183 = arith.constant 16 : i32
      %mul3A_184 = arith.muli %while3A_181, %mul3A_183 : i32
      %get3A = arith.index_cast %mul3A_184 : i32 to index
      %get3A_185 = tpu.vector_load %arg7[%get3A] {strides = array<i32>} : memref<8208xi32, #tpu.memory_space<vmem>>, vector<16xi32>,
      %mul3A_186 = arith.constant 16 : i32
      %mul3A_187 = arith.muli %while3A_181, %mul3A_186 : i32
      %get3A_188 = arith.index_cast %mul3A_187 : i32 to index
      %get3A_189 = tpu.vector_load %arg8[%get3A_188] {strides = array<i32>} : memref<8208xi32, #tpu.memory_space<vmem>>, vector<16xi32>,
      %mul3A_190 = arith.constant 16 : i32
      %mul3A_191 = arith.muli %while3A_181, %mul3A_190 : i32
      %add3A_192 = vector.broadcast %mul3A_191 : i32 to vector<16xi32>
      %add3A_193 = arith.addi %iota3A, %add3A_192 : vector<16xi32>
      %lt3A = vector.broadcast %scan3A_115 : i32 to vector<16xi32>
      %lt3A_194 = arith.cmpi slt, %add3A_193, %lt3A : vector<16xi32>
      %lt3A_195 = vector.broadcast %scan3A_154 : i32 to vector<16xi32>
      %lt3A_196 = arith.cmpi slt, %get3A_185, %lt3A_195 : vector<16xi32>
      %and3A_197 = arith.andi %lt3A_196, %lt3A_194 : vector<16xi1>
      %eq3A = vector.broadcast %scan3A_154 : i32 to vector<16xi32>
      %eq3A_198 = arith.cmpi eq, %get3A_185, %eq3A : vector<16xi32>
      %and3A_199 = arith.andi %eq3A_198, %lt3A_194 : vector<16xi1>
      %convert_element_type3A = arith.extui %and3A_199 : vector<16xi1> to vector<16xi32>
      %broadcast_in_dim3A_200 = arith.constant true
      %broadcast_in_dim3A_201 = vector.broadcast %broadcast_in_dim3A_200 : i1 to vector<16xi1>
      %masked_cumsum3A = tpu.scan <sum>, %convert_element_type3A masked %broadcast_in_dim3A_201 : vector<16xi32>, vector<16xi1> -> vector<16xi32>
      %add3A_202 = vector.broadcast %while3A_182 : i32 to vector<16xi32>
      %add3A_203 = arith.addi %masked_cumsum3A, %add3A_202 : vector<16xi32>
      %le3A = vector.broadcast %sub3A_168 : i32 to vector<16xi32>
      %le3A_204 = arith.cmpi sle, %add3A_203, %le3A : vector<16xi32>
      %and3A_205 = arith.andi %and3A_199, %le3A_204 : vector<16xi1>
      %or3A = arith.ori %and3A_197, %and3A_205 : vector<16xi1>
      tpu.vector_store_idx %arg5[%get3A_189], %broadcast_in_dim3A_5 masked %or3A : memref<8192xf32, #tpu.memory_space<vmem>>[vector<16xi32>], vector<16xf32>, vector<16xi1>
      %all_reduce_population_count3A = tpu.all_reduce %and3A_199 {dim = 0 : i64, kind = #tpu.reduction_kind<sum>} : vector<16xi1> -> vector<16xi32>
      %slice3A = vector.extract_strided_slice %all_reduce_population_count3A {offsets = [0], sizes = [1], strides = [1]} : vector<16xi32> to vector<1xi32>
      %squeeze3A = vector.extract %slice3A[0] : i32 from vector<1xi32>
      %add3A_206 = arith.addi %while3A_182, %squeeze3A : i32
      scf.yield %add3A_206 : i32
    }
    "tpu.region"() ({
      %run_scoped3A = tpu.sem_alloc : memref<!tpu.dma_semaphore, #tpu.memory_space<semaphore_mem>>
      %dma_start3A = arith.constant 0 : i32
      %dma_start3A_181 = tpu.memref_slice %arg3[%add3A_91, %dma_start3A] : memref<64x8192xf32, #tpu.memory_space<hbm>> -> memref<1x8192xf32, #tpu.memory_space<hbm>>
      %dma_start3A_182 = tpu.memref_squeeze %dma_start3A_181 : memref<1x8192xf32, #tpu.memory_space<hbm>> -> memref<8192xf32, #tpu.memory_space<hbm>>
      %dma_start3A_183 = arith.constant 0 : i32
      %dma_start3A_184 = tpu.memref_slice %arg3[%add3A_91, %dma_start3A_183] : memref<64x8192xf32, #tpu.memory_space<hbm>> -> memref<1x8192xf32, #tpu.memory_space<hbm>>
      %dma_start3A_185 = tpu.memref_squeeze %dma_start3A_184 : memref<1x8192xf32, #tpu.memory_space<hbm>> -> memref<8192xf32, #tpu.memory_space<hbm>>
      tpu.enqueue_dma source(%arg5 : memref<8192xf32, #tpu.memory_space<vmem>>) target(%dma_start3A_185 : memref<8192xf32, #tpu.memory_space<hbm>>) target_semaphore(%run_scoped3A : memref<!tpu.dma_semaphore, #tpu.memory_space<semaphore_mem>>)
      %dma_wait3A = arith.constant 0 : i32
      %dma_wait3A_186 = tpu.memref_slice %arg3[%add3A_91, %dma_wait3A] : memref<64x8192xf32, #tpu.memory_space<hbm>> -> memref<1x8192xf32, #tpu.memory_space<hbm>>
      %dma_wait3A_187 = tpu.memref_squeeze %dma_wait3A_186 : memref<1x8192xf32, #tpu.memory_space<hbm>> -> memref<8192xf32, #tpu.memory_space<hbm>>
      %dma_wait3A_188 = arith.constant 0 : i32
      %dma_wait3A_189 = tpu.memref_slice %arg3[%add3A_91, %dma_wait3A_188] : memref<64x8192xf32, #tpu.memory_space<hbm>> -> memref<1x8192xf32, #tpu.memory_space<hbm>>
      %dma_wait3A_190 = tpu.memref_squeeze %dma_wait3A_189 : memref<1x8192xf32, #tpu.memory_space<hbm>> -> memref<8192xf32, #tpu.memory_space<hbm>>
      tpu.wait_dma2 semaphore(%run_scoped3A : memref<!tpu.dma_semaphore, #tpu.memory_space<semaphore_mem>>) src(%arg5 : memref<8192xf32, #tpu.memory_space<vmem>>) dst(%dma_wait3A_190 : memref<8192xf32, #tpu.memory_space<hbm>>)
      tpu.yield
    }) : () -> ()
    return
  }
}

</mosaic_0001>

<sc_bundles>
// kernel: kernel.3.cloned.1.call-start
scs
__scs_entry_jumppad:
0x0: {  	(pc) =	sbr.rel $0x88, $3  }
0x1: {  	(tag) =	ssettag $0x0;
	lr =	simm.s32 $0x1  }
0x2: {  	[smem:$0x3FA0] =	sst lr;
	_ =	strace $0xD0000000  }
0x3: {  	_ = 	snop  }
0x4: {  	_ = 	snop  }
0x5: {  	_ = 	snop  }
0x6: {  	_ = 	snop  }
0x7: {  	_ = 	snop  }
__scs_overlays_trampoline_lowered:
0x8: {  	[smem:$0x3FAF] =	sst s0  }
0x9: {  	[smem:$0x3FB0] =	sst s1  }
0xa: {  	[smem:$0x3FB1] =	sst s2  }
0xb: {  	[smem:$0x3FB2] =	sst s3  }
0xc: {  	[smem:$0x3FB3] =	sst s4  }
0xd: {  	[smem:$0x3FB4] =	sst s5  }
0xe: {  	[smem:$0x3FB5] =	sst s6  }
0xf: {  	[smem:$0x3FB6] =	sst s7  }
0x10: {  	[smem:$0x3FB7] =	sst s8  }
0x11: {  	[smem:$0x3FB8] =	sst s9;
	s0 =	simm.s32 @!p0 $0x0  }
0x12: {  	s1 =	sld [smem:$0x3F9E];
	s0 =	simm.s32 @p0 $0x1  }
0x13: {  	[smem:$0x3FB9] =	sst s0;
	s0 =	simm.s32 @!p1 $0x0  }
0x14: {  	s2 =	sld [smem:$0x3F9D];
	s0 =	simm.s32 @p1 $0x1  }
0x15: {  	[smem:$0x3FBA] =	sst s0;
	s0 =	simm.s32 @!p2 $0x0  }
0x16: {  	s3 =	sld [smem:$0x3FDB];
	s0 =	simm.s32 @p2 $0x1  }
0x17: {  	s4 =	simm.s32 $0x1BF5;
	[smem:$0x3FBC] =	sst s0  }
0x18: {  	s0 =	sld [smem:$0x3F9F];
	_ =	swait.ge [sflag:s4], $0x0  }
0x19: {  	s7 =	sld [smem:$0x3FA0]  }
0x1a: {  	s8 =	sadd.s32 $0xFFFFE003, lr  }
0x1b: {  	s9 =	sadd.s32 $0xFFFFFEF7, lr;
	s5 =	simm.s32 $0xFFFFFFFF;
	p2 =	slt.u32 s8, $0xFFFFF086  }
0x1c: {  	p1 =	slt.u32 s9, $0xF7A;
	s5 =	simm.s32 @!p2 $0x0  }
0x1d: {  	s5 =	simm.s32 @p1 $0x1;
	p0 =	seq.s32 s7, s2  }
0x1e: {  	s7 =	smul.u32 @!p0 $0xF7A, s2;
	p2 =	seq.s32 @!p0 s5, $0x0  }
0x1f: {  	s9 =	smul.u32 $0xF7A, s1;
	s8 =	simm.s32 @!p0 $0x1BF5;
	p2 =	por !p2, p0  }
0x20: {  	[sflag:s8] =	ssyncset.s32 @!p0 $0xFFFFF086;
	s6 =	sadd.s32 @!p0 s3, s7;
	s7 =	simm.s32 @!p0 $0x108  }
0x21: {  	s3 =	sadd.s32 s3, s9;
	s6 =	sadd.s32 @!p0 $0x88, s6;
	s7 =	simm.s32 @p2 $0x1082  }
0x22: {  	[simem:s7], [sflag:s8] =	dma.local @!p0 [hbm:s6], $0xF7A  }
0x23: {  	s9 =	sor.u32 $0xD0000000, s2;
	s6 =	simm.s32 $0x108;
	_ =	swait.ge @!p0 [sflag:s8], $0x0  }
0x24: {  	s3 =	sadd.s32 $0x88, s3;
	s6 =	simm.s32 @!p1 $0x1082;
	[sflag:s4] =	ssyncset.s32 $0xFFFFF086  }
0x25: {  	[simem:s6], [sflag:s4] =	dma.local [hbm:s3], $0xF7A  }
0x26: {  	[smem:$0x3FA0] =	sst s1;
	(tag) =	ssettag s2;
	_ =	strace s9  }
0x27: {  	s1 =	sld [smem:$0x3FB0]  }
0x28: {  	s2 =	sld [smem:$0x3FB1]  }
0x29: {  	s4 =	sld [smem:$0x3FB3]  }
0x2a: {  	p0 =	seq.s32 s5, $0x0;
	s5 =	sld [smem:$0x3FB4]  }
0x2b: {  	s6 =	sld [smem:$0x3FB5]  }
0x2c: {  	s7 =	sld [smem:$0x3FB6]  }
0x2d: {  	s3 =	simm.s32 $0x108;
	s8 =	sld [smem:$0x3FB7]  }
0x2e: {  	s3 =	simm.s32 @!p0 $0x1082;
	s9 =	sld [smem:$0x3FB8]  }
0x2f: {  	lr =	sadd.s32 s0, s3;
	s0 =	sld [smem:$0x3FAF]  }
0x30: {  	s3 =	sld [smem:$0x3FB2]  }
0x31: {  	[smem:$0x3FBB] =	sst s10  }
0x32: {  	s10 =	sld [smem:$0x3FB9];
	_ =	sdelay $0x3  }
0x33: {  	p0 =	seq.s32 s10, $0x1;
	s10 =	sld [smem:$0x3FBB];
	_ =	sdelay $0x3  }
0x34: {  	[smem:$0x3FBB] =	sst s10  }
0x35: {  	s10 =	sld [smem:$0x3FBA];
	_ =	sdelay $0x3  }
0x36: {  	p1 =	seq.s32 s10, $0x1;
	s10 =	sld [smem:$0x3FBB];
	_ =	sdelay $0x3  }
0x37: {  	[smem:$0x3FBB] =	sst s10  }
0x38: {  	s10 =	sld [smem:$0x3FBC]  }
0x39: {  	_ = 	snop;
	(pc) =	sbr.ind lr, $3  }
0x3a: {  	_ = 	snop  }
0x3b: {  	_ = 	snop  }
0x3c: {  	p2 =	seq.s32 s10, $0x1;
	s10 =	sld [smem:$0x3FBB]  }
0x3d: {  	_ =	shalt  }
0x3e: {  	_ =	shalt  }
0x3f: {  	_ =	shalt  }
0x40: {  	_ =	shalt  }
0x41: {  	_ =	shalt  }
0x42: {  	_ =	shalt  }
0x43: {  	_ =	shalt  }
0x44: {  	_ =	shalt  }
0x45: {  	_ =	shalt  }
0x46: {  	_ =	shalt  }
0x47: {  	_ =	shalt  }
0x48: {  	_ =	shalt  }
0x49: {  	_ =	shalt  }
0x4a: {  	_ =	shalt  }
0x4b: {  	_ =	shalt  }
0x4c: {  	_ =	shalt  }
0x4d: {  	_ =	shalt  }
0x4e: {  	_ =	shalt  }
0x4f: {  	_ =	shalt  }
0x50: {  	_ =	shalt  }
0x51: {  	_ =	shalt  }
0x52: {  	_ =	shalt  }
0x53: {  	_ =	shalt  }
0x54: {  	_ =	shalt  }
0x55: {  	_ =	shalt  }
0x56: {  	_ =	shalt  }
0x57: {  	_ =	shalt  }
0x58: {  	_ =	shalt  }
0x59: {  	_ =	shalt  }
0x5a: {  	_ =	shalt  }
0x5b: {  	_ =	shalt  }
0x5c: {  	_ =	shalt  }
0x5d: {  	_ =	shalt  }
0x5e: {  	_ =	shalt  }
0x5f: {  	_ =	shalt  }
0x60: {  	_ =	shalt  }
0x61: {  	_ =	shalt  }
0x62: {  	_ =	shalt  }
0x63: {  	_ =	shalt  }
0x64: {  	_ =	shalt  }
0x65: {  	_ =	shalt  }
0x66: {  	_ =	shalt  }
0x67: {  	_ =	shalt  }
0x68: {  	_ =	shalt  }
0x69: {  	_ =	shalt  }
0x6a: {  	_ =	shalt  }
0x6b: {  	_ =	shalt  }
0x6c: {  	_ =	shalt  }
0x6d: {  	_ =	shalt  }
0x6e: {  	_ =	shalt  }
0x6f: {  	_ =	shalt  }
0x70: {  	_ =	shalt  }
0x71: {  	_ =	shalt  }
0x72: {  	_ =	shalt  }
0x73: {  	_ =	shalt  }
0x74: {  	_ =	shalt  }
0x75: {  	_ =	shalt  }
0x76: {  	_ =	shalt  }
0x77: {  	_ =	shalt  }
0x78: {  	_ =	shalt  }
0x79: {  	_ =	shalt  }
0x7a: {  	_ =	shalt  }
0x7b: {  	_ =	shalt  }
0x7c: {  	_ =	shalt  }
0x7d: {  	_ =	shalt  }
0x7e: {  	_ =	shalt  }
0x7f: {  	_ =	shalt  }
0x80: {  	_ =	shalt  }
0x81: {  	_ =	shalt  }
0x82: {  	_ =	shalt  }
0x83: {  	_ =	shalt  }
0x84: {  	_ =	shalt  }
0x85: {  	_ =	shalt  }
0x86: {  	_ =	shalt  }
0x87: {  	_ =	shalt  }
.Lfunc_end0:
.L_simem_size_0:
called_computation_lowered:
.L_overlay_start_0:
0x88: {  	s2 =	sld [smem:$0x3FD9]  }
0x89: {  	s3 =	sld [smem:$0x3FFE];
	_ =	sdelay $0x1  }
0x8a: {  	s1 =	srdreg.scid  }
0x8b: {  	s0 =	sand.u32 $0x1, s1  }
0x8c: {  	s18 =	sshll.u32 s0, $0xA;
	s2 =	sadd.s32 s3, s2  }
0x8d: {  	s2 =	sadd.s32 s2, s18  }
0x8e: {  	[smem:$0x3FC7] =	sst s2  }
0x8f: {  	_ = 	snop  }
0x90: {  	s2 =	sld [smem:$0x3FC9]  }
0x91: {  	s19 =	sld [smem:$0x3FD0];
	(tm) =	ssettm $0x1  }
0x92: {  	s4 =	sld [smem:$0x3FFB];
	_ =	sdelay $0x3  }
0x93: {  	_ =	strace s4  }
0x94: {  	s4 =	sld [smem:$0x3FFC];
	_ =	sdelay $0x3  }
0x95: {  	_ =	strace s4  }
0x96: {  	s4 =	sld [smem:$0x3FFD];
	_ =	sdelay $0x3  }
0x97: {  	_ =	strace s4  }
0x98: {  	_ =	strace $0x8FFFFFFF  }
0x99: {  	s20 =	sld [smem:$0x3FDB];
	_ =	sdelay $0x1  }
0x9a: {  	s5 =	simm.s32 $_scs_section_size  }
0x9b: {  	s6 =	simm.s32 $_size__tile_overlayer_lowered;
	s7 =	simm.s32 $_tile_overlayer_lowered  }
0x9c: {  	s23 =	simm.s32 $0x1BFF;
	s22 =	sshll.u32 s7, $0x1;
	s4 =	sadd.s32 s5, s20  }
0x9d: {  	s8 =	simm.s32 $0x0;
	s21 =	sshll.u32 s6, $0x1;
	s6 =	sadd.s32 s22, s4  }
0x9e: {  	[timem:s8], [sflag:s23] =	dma.local [hbm:s6], s21  }
0x9f: {  	_ =	swait.ge [sflag:s23], s21  }
0xa0: {  	s5 =	ssub.s32 $0x0, s21;
	[sflag:s23] =	ssyncset.done $0x0  }
0xa1: {  	[sflag:s23] =	ssyncadd.s32 s5;
	_ =	sdelay $0x1  }
0xa2: {  	s24 =	simm.s32 $0x1B8B  }
0xa3: {  	_ =	swait.ge [sflag:s24], $0x1  }
0xa4: {  	[sflag:s24] =	ssyncset.done $0x0  }
0xa5: {  	s25 =	simm.s32 $0x1B8E;
	[sflag:s24] =	ssyncadd.s32 $0xFFFFFFFF  }
0xa6: {  	s26 =	simm.s32 $execute0_lowered;
	[smem:$0x3FD2] =	sst s25  }
0xa7: {  	s5 =	sshll.u32 s26, $0x1;
	_ =	strace $0x80000046;
	[dreg:$0x1] =	wrdreg $0xFFFFFFFF  }
0xa8: {  	s28 =	simm.s32 $_size_execute0_lowered;
	s4 =	sadd.s32 s4, s5;
	[dreg:$0x0] =	wrdreg $0x0  }
0xa9: {  	s5 =	sshll.u32 s28, $0x1;
	[dreg:$0x2] =	wrdreg s4  }
0xaa: {  	[dreg:$0x3] =	wrdreg s5  }
0xab: {  	[dreg:$0x4] =	wrdreg $0xC0  }
0xac: {  	_ =	task [dreg:s8], $0x5FFFF  }
0xad: {  	[dreg:$0x1] =	wrdreg $0xFFFFFFFF  }
0xae: {  	[dreg:$0x0] =	wrdreg $0x60  }
0xaf: {  	[dreg:$0x2] =	wrdreg s2  }
0xb0: {  	[dreg:$0x3] =	wrdreg s19  }
0xb1: {  	[dreg:$0x4] =	wrdreg $0x9  }
0xb2: {  	_ =	task.clear_ibuf [dreg:s8], $0x5FFFF;
	_ =	strace $0x90000046  }
0xb3: {  	s29 =	simm.s32 $0x9;
	_ =	strace $0x80000048  }
0xb4: {  	_ =	swait.ge [sflag:s29], $0x1  }
0xb5: {  	[sflag:s29] =	ssyncadd.s32 $0xFFFFFFFF  }
0xb6: {  	_ =	strace $0x90000048  }
0xb7: {  	_ =	sfence  }
0xb8: {  	s30 =	sld [smem:$0x0];
	_ =	sdelay $0x2  }
0xb9: {  	s31 =	sshll.u32 s1, $0xD;
	s1 =	sshrl.u32 s1, $0x2  }
0xba: {  	s3 =	sand.u32 $0x4000, s31;
	s1 =	sadd.s32 s1, s30  }
0xbb: {  	s0 =	sor.u32 s3, s0;
	s1 =	sshll.u32 s1, $0x11  }
0xbc: {  	s0 =	sor.u32 s1, s0  }
0xbd: {  	s0 =	sadd.s32 $0x8F2B, s0  }
0xbe: {  	[sflag:s0] =	ssyncadd.remote.s32 $0x1  }
0xbf: {  	_ =	sfence.sel $0xFFFF  }
0xc0: {  	[dreg:$0x0] =	wrdreg $0xFFFFFFFF;
	(pc) =	sbr.abs _section_cstart, $3  }
0xc1: {  	[dreg:$0x1] =	wrdreg $0xFFFFFFFF  }
0xc2: {  	_ =	task.clear_ibuf [dreg:s8], $0x2FFFF;
	_ =	strace $0x9FFFFFFF  }
0xc3: {  	(tm) =	ssettm $0x7FFFFFFF  }
tec
execute0_lowered:
.L_overlay_start_1:
0x0: {  	(tag) =	ssettag $0x1  }
0x1: {  	s5 =	rddreg [dreg:$0x0]  }
0x2: {  	s6 =	rddreg [dreg:$0x1]  }
0x3: {  	s0 =	rddreg [dreg:$0x2];
	s3 =	srdreg.scid;
	s2 =	simm.s32 $0x0  }
0x4: {  	s1 =	stileid.u32;
	s10 =	simm.s32 $0x1;
	s11 =	simm.s32 $0x100000  }
0x5: {  	s12 =	simm.s32 $0x2000;
	s13 =	simm.s32 $0x0;
	s3 =	sand.u32 $0x1, s3  }
0x6: {  	[smem:$0x7FF] =	sst s2;
	s7 =	sshll.u32 s1, $0x6;
	s8 =	sshll.u32 s1, $0xC  }
0x7: {  	s4 =	ssub.s32 $0x2, s3;
	s3 =	sshll.u32 s3, $0x5;
	s7 =	sand.u32 $0x40, s7  }
.Ltmp0:
0x8: {  	s8 =	sand.u32 $0xE000, s8;
	s3 =	sor.u32 s3, s7;
	(pc) =	sbr.rel .LBB2_1-.Ltmp0, $4  }
0x9: {  	_ =	strace $0x80000047;
	s9 =	sshrl.u32 s4, $0x1;
	s8 =	sor.u32 s8, s3  }
0xa: {  	v0 =	vimm.s32 $0x0;
	v1 =	vimm.s32 $0x7FE00000;
	s31 =	ssub.s32 s4, s9;
	s9 =	simm.s32 $0x400;
	s3 =	sadd.s32 s5, s8  }
0xb: {  	v2 =	vimm.s32 $0x1;
	v3 =	vimm.f32 $0.0e+00;
	v4 =	vlaneseq.u32;
	s4 =	sadd.s32 s6, s8;
	s8 =	sor.u32 $0x10, s8;
	s7 =	smax.u32 s31, $0x1  }
0xc: {  	v5 =	vimm.s32 $0x7FFFFFFF;
	v6 =	vimm.s32 $0x1FFFFF;
	v7 =	vimm.f32 $1.000000000e+00;
	s5 =	sadd.s32 s5, s8;
	s6 =	sadd.s32 s6, s8;
	s8 =	simm.s32 $0x80  }
.LBB2_68:
0xd: {  	s16 =	simm.s32 $0x0;
	s19 =	simm.s32 $0x0;
	s18 =	simm.s32 $0x6880  }
.LBB2_72:
0xe: {  	v11 =	vld [tilespmem:s17+$0x0];
	_ =	sdelay $0x1  }
0xf: {  	s17 =	sadd.s32 @p1 $0x10, s19;
	s19 =	simm.s32 $0x0  }
0x10: {  	s19 =	smov.u32 @p1 s17  }
0x11: {  	v12 =	vor.u32 s19, v4  }
0x12: {  	vm0 =	vlt.s32 v12, v10;
	vm1 =	veq.s32 v11, v8  }
0x13: {  	vm1 =	vmand vm0, vm1  }
0x14: {  	v61 =	vsel vm1, $0x1, v0;
	v62 =	vmpcnt.ones.xlane vm1  }
0x15: {  	(xrf0) =	vadd.scan.msk.s32 $0xffff, v61  }
0x16: {  	(v2sf) =	vpush v62, $0x0;
	_ =	sdelay $0x3  }
0x17: {  	s16 =	sadd.s32 @p1 s16, s21  }
0x18: {  	s15 =	smov.u32 @p1 s16;
	s16 =	sadd.s32 @p1 $0x10, s18;
	v10, _, _ =	vpop (xrf0)  }
0x19: {  	s14 =	smov.u32 @p1 s16;
	v10 =	vadd.s32 s15, v10  }
0x1a: {  	v63 =	vld [tilespmem:s14+$0x0];
	vm2 =	vlt.s32 v11, v8;
	vm3 =	vle.s32 v10, v9  }
0x1b: {  	vm0 =	vmand vm0, vm2;
	vm1 =	vmand vm1, vm3  }
0x1c: {  	vm0 =	vmor vm0, vm1;
	_ =	sdelay $0x5  }
0x1d: {  	[tilespmem:v63+s12+$0x0] =	vst.idx.msk vm0, v7;
	s31 =	spop (v2sf)  }
.LBB2_73:
0x1e: {  	s13 =	sadd.s32 $0x1, s13  }
0x1f: {  	p0 =	sne.s32 s13, s7  }
.Ltmp1:
0x20: {  	_ = 	snop;
	(pc) =	sbr.rel @!p0 .LBB2_74-.Ltmp1, $4  }
0x21: {  	[hbm4b:s6+s8] =	stream.strided.scatter [tilespmem:s12], [sflag:$0x1], $0x2000, s9, s8, $0x38;
	[tilespmem:$0x8900] =	vst v63  }
0x22: {  	_ =	swait.ge [sflag:s10], $0x2000  }
0x23: {  	[sflag:s10] =	ssyncset.done $0x0  }
0x24: {  	[sflag:s10] =	ssyncadd.s32 $0xFFFFE000  }
.LBB2_1:
0x25: {  	[tilespmem:s2], [sflag:$0x1] =	stream.strided.gather [hbm4b:s3+s8], $0x2000, s9, s8, $0x38;
	[tilespmem:$0x8900] =	vst v63  }
0x26: {  	_ =	swait.ge [sflag:s10], $0x2000  }
0x27: {  	[sflag:s10] =	ssyncset.done $0x0  }
0x28: {  	s14 =	simm.s32 $0x4040;
	[sflag:s10] =	ssyncadd.s32 $0xFFFFE000  }
0x29: {  	[tilespmem:s14+$0xFFFFFFC0] =	vst v0  }
0x2a: {  	[tilespmem:s14+$0x30] =	vst v0  }
0x2b: {  	[tilespmem:s14+$0x20] =	vst v0  }
0x2c: {  	[tilespmem:s14+$0x10] =	vst v0  }
0x2d: {  	[tilespmem:s14+$0x0] =	vst v0  }
0x2e: {  	[tilespmem:s14+$0xFFFFFFF0] =	vst v0  }
0x2f: {  	s16 =	simm.s32 $0xFFFFFFF8;
	s15 =	simm.s32 $0x0;
	[tilespmem:s14+$0xFFFFFFE0] =	vst v0  }
.LBB2_2:
0x30: {  	s15 =	sadd.s32 $0x8, s15;
	[tilespmem:s14+$0xFFFFFFD0] =	vst v0;
	s14 =	sadd.s32 $0x80, s14;
	s17 =	simm.s32 $0x40  }
0x31: {  	[tilespmem:s14+$0xFFFFFFC0] =	vst v0;
	p0 =	slt.u32 s15, $0x78  }
0x32: {  	[tilespmem:s14+$0x30] =	vst v0  }
.Ltmp2:
0x33: {  	[tilespmem:s14+$0x20] =	vst v0;
	(pc) =	sbr.rel @p0 .LBB2_2-.Ltmp2, $4  }
0x34: {  	[tilespmem:s14+$0x10] =	vst v0  }
0x35: {  	[tilespmem:s14+$0x0] =	vst v0  }
0x36: {  	[tilespmem:s14+$0xFFFFFFF0] =	vst v0  }
0x37: {  	[tilespmem:s14+$0xFFFFFFE0] =	vst v0  }
0x38: {  	[tilespmem:s14+$0xFFFFFFD0] =	vst v0  }
.LBB2_4:
0x39: {  	v8 =	vld [tilespmem:s17+$0xFFFFFFC0];
	_ =	sdelay $0x4  }
0x3a: {  	vm0 =	vlt.s32 v8, $0x0  }
0x3b: {  	v9 =	vsel vm0, $0x0, v1  }
0x3c: {  	v8 =	vxor.u32 v8, v9  }
0x3d: {  	v8 =	vshrl.u32 v8, $0x15;
	_ =	sdelay $0x3  }
0x3e: {  	s15 =	simm.s32 $0x4000  }
0x3f: {  	[tilespmem:v8+s15+$0x0] =	vst.idx.add.s32.msk $0xffff, v2  }
0x40: {  	v8 =	vld [tilespmem:s17+$0xFFFFFFD0];
	_ =	sdelay $0x4  }
0x41: {  	vm9 =	vlt.s32 v8, $0x0  }
0x42: {  	v57 =	vsel vm9, $0x0, v1  }
0x43: {  	v8 =	vxor.u32 v8, v57  }
0x44: {  	v8 =	vshrl.u32 v8, $0x15;
	_ =	sdelay $0x4  }
0x45: {  	[tilespmem:v8+s15+$0x0] =	vst.idx.add.s32.msk $0xffff, v2  }
0x46: {  	v8 =	vld [tilespmem:s17+$0xFFFFFFE0];
	_ =	sdelay $0x4  }
0x47: {  	vm10 =	vlt.s32 v8, $0x0  }
0x48: {  	v58 =	vsel vm10, $0x0, v1  }
0x49: {  	v8 =	vxor.u32 v8, v58  }
0x4a: {  	v8 =	vshrl.u32 v8, $0x15;
	_ =	sdelay $0x4  }
0x4b: {  	[tilespmem:v8+s15+$0x0] =	vst.idx.add.s32.msk $0xffff, v2  }
0x4c: {  	v8 =	vld [tilespmem:s17+$0xFFFFFFF0];
	_ =	sdelay $0x4  }
0x4d: {  	vm11 =	vlt.s32 v8, $0x0  }
0x4e: {  	v59 =	vsel vm11, $0x0, v1  }
0x4f: {  	v8 =	vxor.u32 v8, v59  }
0x50: {  	v8 =	vshrl.u32 v8, $0x15;
	_ =	sdelay $0x4  }
0x51: {  	[tilespmem:v8+s15+$0x0] =	vst.idx.add.s32.msk $0xffff, v2  }
0x52: {  	v8 =	vld [tilespmem:s17+$0x0];
	_ =	sdelay $0x4  }
0x53: {  	vm12 =	vlt.s32 v8, $0x0  }
0x54: {  	v60 =	vsel vm12, $0x0, v1  }
0x55: {  	v8 =	vxor.u32 v8, v60  }
0x56: {  	v8 =	vshrl.u32 v8, $0x15;
	_ =	sdelay $0x4  }
0x57: {  	[tilespmem:v8+s15+$0x0] =	vst.idx.add.s32.msk $0xffff, v2  }
0x58: {  	v8 =	vld [tilespmem:s17+$0x10];
	_ =	sdelay $0x4  }
0x59: {  	vm13 =	vlt.s32 v8, $0x0  }
0x5a: {  	v61 =	vsel vm13, $0x0, v1  }
0x5b: {  	v8 =	vxor.u32 v8, v61  }
0x5c: {  	v8 =	vshrl.u32 v8, $0x15;
	_ =	sdelay $0x4  }
0x5d: {  	[tilespmem:v8+s15+$0x0] =	vst.idx.add.s32.msk $0xffff, v2  }
0x5e: {  	v8 =	vld [tilespmem:s17+$0x20];
	_ =	sdelay $0x4  }
0x5f: {  	vm14 =	vlt.s32 v8, $0x0  }
0x60: {  	v62 =	vsel vm14, $0x0, v1  }
0x61: {  	v8 =	vxor.u32 v8, v62  }
0x62: {  	v8 =	vshrl.u32 v8, $0x15;
	_ =	sdelay $0x4  }
0x63: {  	[tilespmem:v8+s15+$0x0] =	vst.idx.add.s32.msk $0xffff, v2  }
0x64: {  	v8 =	vld [tilespmem:s17+$0x30];
	_ =	sdelay $0x4  }
0x65: {  	vm15 =	vlt.s32 v8, $0x0  }
0x66: {  	v63 =	vsel vm15, $0x0, v1  }
0x67: {  	s16 =	sadd.s32 $0x8, s16;
	v8 =	vxor.u32 v8, v63  }
0x68: {  	p0 =	slt.u32 s16, $0x1F8;
	v8 =	vshrl.u32 v8, $0x15  }
.Ltmp3:
0x69: {  	_ = 	snop;
	(pc) =	sbr.rel @p0 .LBB2_4-.Ltmp3, $3  }
0x6a: {  	_ =	sdelay $0x1  }
0x6b: {  	s18 =	simm.s32 $0x0;
	s14 =	simm.s32 $0x0;
	s19 =	simm.s32 $0x0  }
0x6c: {  	s20 =	simm.s32 $0x0;
	s21 =	simm.s32 $0x0;
	s17 =	sadd.s32 $0x80, s17;
	[tilespmem:v8+s15+$0x0] =	vst.idx.add.s32.msk $0xffff, v2  }
.LBB2_5:
0x6d: {  	v8 =	vld [tilespmem:s15+$0x0];
	_ =	sdelay $0x4  }
0x6e: {  	(xrf0) =	vadd.scan.msk.s32 $0xffff, v8;
	_ =	sdelay $0x5  }
0x6f: {  	v9, _, _ =	vpop (xrf0)  }
0x70: {  	v10 =	vadd.s32 s20, v9  }
0x71: {  	vm0 =	vgt.s32 v10, $0xFF  }
0x72: {  	v63 =	vsel vm0, $0x3F800000, v3  }
0x73: {  	v11 =	vmctz.xlane vm0;
	(xrf0) =	vmax.scan.msk.f32 $0xffff, v63  }
0x74: {  	v8 =	vsub.s32 v10, v8  }
0x75: {  	v8 =	vxor.u32 $0x80000000, v8;
	vm15 =	veq.s32 v11, v4  }
0x76: {  	v8 =	vnsel vm15, $0x80000000, v8  }
0x77: {  	(xrf0) =	vmax.scan.msk.u32 $0xffff, v8;
	_ =	sdelay $0x1  }
0x78: {  	v8, _, _ =	vpop (xrf0)  }
0x79: {  	(v2sf) =	vpush v8, $0xF;
	_ =	sdelay $0x2  }
0x7a: {  	v8, _, _ =	vpop (xrf0)  }
0x7b: {  	(v2sf) =	vpush v8, $0xF  }
0x7c: {  	(v2sf) =	vpush v11, $0x0;
	_ =	sdelay $0x1  }
0x7d: {  	(v2sf) =	vpush v9, $0xF;
	_ =	sdelay $0x7  }
0x7e: {  	p0 =	sgt.u32 s21, $0x7E;
	s16 =	spop (v2sf)  }
0x7f: {  	p1 =	sgt.f32 @!p0 s16, $0.0e+00;
	_ =	sdelay $0x1  }
0x80: {  	p0 =	por p0, p1  }
.Ltmp4:
0x81: {  	s17 =	spop (v2sf);
	(pc) =	sbr.rel @!p0 .LBB2_5-.Ltmp4, $4  }
0x82: {  	s21 =	sadd.s32 $0x1, s21;
	s15 =	sadd.s32 $0x10, s15;
	s22 =	spop (v2sf)  }
0x83: {  	p1 =	sgt.f32 s16, $0.0e+00;
	s30 =	sxor.u32 $0x80000000, s17;
	s17 =	sadd.s32 s18, s22  }
0x84: {  	s16 =	ssub.s32 $0x100, s30;
	s31 =	spop (v2sf);
	s18 =	sadd.s32 $0x10, s18  }
0x85: {  	s20 =	sadd.s32 s20, s31;
	s19 =	smov.u32 @p1 s17;
	s14 =	smov.u32 @p1 s16  }
0x86: {  	s17 =	simm.s32 $0x20  }
0x87: {  	v9 =	vld [tilespmem:s17+$0xFFFFFFE0];
	_ =	sdelay $0x4  }
0x88: {  	vm0 =	vlt.s32 v9, $0x0  }
0x89: {  	v10 =	vsel vm0, $0x0, v5  }
0x8a: {  	v9 =	vxor.u32 v9, v10  }
0x8b: {  	v8 =	vmov s19;
	v10 =	vshrl.u32 v9, $0x15  }
0x8c: {  	vm0 =	vlt.s32 v10, v8;
	vm1 =	veq.s32 v10, v8  }
0x8d: {  	s16 =	simm.s32 $0x2020;
	v10 =	vsel vm0, $0x3F800000, v3;
	v11 =	vmpcnt.ones.xlane vm1  }
0x8e: {  	s15 =	simm.s32 $0x0;
	v9 =	vand.u32 $0x1FFFFF, v9;
	[tilespmem:s16+$0xFFFFFFE0] =	vst v10  }
0x8f: {  	v10 =	vor.u32 s15, v4;
	[tilespmem:s15+$0x4800] =	vst.msk vm1, v9;
	(v2sf) =	vpush v11, $0x0  }
0x90: {  	[tilespmem:s15+$0x6880] =	vst.msk vm1, v10  }
0x91: {  	v9 =	vld [tilespmem:s17+$0xFFFFFFF0];
	_ =	sdelay $0x4  }
0x92: {  	vm0 =	vlt.s32 v9, $0x0  }
0x93: {  	v10 =	vsel vm0, $0x0, v5  }
0x94: {  	v9 =	vxor.u32 v9, v10  }
0x95: {  	v10 =	vshrl.u32 v9, $0x15  }
0x96: {  	vm0 =	veq.s32 v10, v8  }
0x97: {  	v11 =	vmpcnt.ones.xlane vm0;
	_ =	sdelay $0x1  }
0x98: {  	vm1 =	vlt.s32 v10, v8;
	(v2sf) =	vpush v11, $0x0  }
0x99: {  	v10 =	vsel vm1, $0x3F800000, v3;
	s18 =	spop (v2sf)  }
0x9a: {  	s26 =	simm.s32 $0x10;
	v9 =	vand.u32 $0x1FFFFF, v9;
	[tilespmem:s16+$0xFFFFFFF0] =	vst v10;
	s18 =	sadd.s32 $0x0, s18  }
0x9b: {  	v10 =	vor.u32 s26, v4;
	[tilespmem:s18+$0x4800] =	vst.msk vm0, v9  }
0x9c: {  	[tilespmem:s18+$0x6880] =	vst.msk vm0, v10  }
0x9d: {  	v9 =	vld [tilespmem:s17+$0x0];
	_ =	sdelay $0x4  }
0x9e: {  	vm0 =	vlt.s32 v9, $0x0  }
0x9f: {  	v10 =	vsel vm0, $0x0, v5  }
0xa0: {  	v9 =	vxor.u32 v9, v10  }
0xa1: {  	v10 =	vshrl.u32 v9, $0x15  }
0xa2: {  	vm0 =	vlt.s32 v10, v8;
	vm1 =	veq.s32 v10, v8  }
0xa3: {  	v10 =	vsel vm0, $0x3F800000, v3;
	v11 =	vmpcnt.ones.xlane vm1;
	s28 =	spop (v2sf)  }
0xa4: {  	s29 =	simm.s32 $0x20;
	v9 =	vand.u32 $0x1FFFFF, v9;
	s18 =	sadd.s32 s18, s28;
	[tilespmem:s16+$0x0] =	vst v10  }
0xa5: {  	v10 =	vor.u32 s29, v4;
	[tilespmem:s18+$0x4800] =	vst.msk vm1, v9;
	(v2sf) =	vpush v11, $0x0  }
0xa6: {  	[tilespmem:s18+$0x6880] =	vst.msk vm1, v10  }
0xa7: {  	v9 =	vld [tilespmem:s17+$0x10];
	_ =	sdelay $0x4  }
0xa8: {  	vm0 =	vlt.s32 v9, $0x0  }
0xa9: {  	v10 =	vsel vm0, $0x0, v5  }
0xaa: {  	v9 =	vxor.u32 v9, v10  }
0xab: {  	v10 =	vshrl.u32 v9, $0x15  }
0xac: {  	vm0 =	veq.s32 v10, v8  }
0xad: {  	v11 =	vmpcnt.ones.xlane vm0;
	_ =	sdelay $0x1  }
0xae: {  	vm1 =	vlt.s32 v10, v8;
	(v2sf) =	vpush v11, $0x0  }
0xaf: {  	v10 =	vsel vm1, $0x3F800000, v3;
	s30 =	spop (v2sf)  }
0xb0: {  	s31 =	simm.s32 $0x30;
	v9 =	vand.u32 $0x1FFFFF, v9;
	[tilespmem:s16+$0x10] =	vst v10;
	s19 =	sadd.s32 s18, s30  }
0xb1: {  	v10 =	vor.u32 s31, v4;
	[tilespmem:s19+$0x4800] =	vst.msk vm0, v9  }
0xb2: {  	s17 =	simm.s32 $0x60;
	[tilespmem:s19+$0x6880] =	vst.msk vm0, v10  }
0xb3: {  	v9 =	vld [tilespmem:s17+$0xFFFFFFE0];
	_ =	sdelay $0x4  }
0xb4: {  	vm0 =	vlt.s32 v9, $0x0  }
0xb5: {  	v10 =	vsel vm0, $0x0, v5  }
0xb6: {  	v9 =	vxor.u32 v9, v10  }
0xb7: {  	v10 =	vshrl.u32 v9, $0x15  }
0xb8: {  	vm1 =	vlt.s32 v10, v8;
	vm0 =	veq.s32 v10, v8  }
0xb9: {  	s16 =	simm.s32 $0x2060;
	s18 =	simm.s32 $0x4;
	v9 =	vand.u32 $0x1FFFFF, v9;
	v11 =	vsel vm1, $0x3F800000, v3;
	v10 =	vmpcnt.ones.xlane vm0;
	s20 =	spop (v2sf)  }
.LBB2_7:
0xba: {  	s18 =	sadd.s32 $0x4, s18;
	[tilespmem:s16+$0xFFFFFFE0] =	vst v11;
	s19 =	sadd.s32 s19, s20;
	s15 =	sadd.s32 $0x40, s15  }
0xbb: {  	p0 =	slt.u32 s18, $0x1FC;
	v11 =	vor.u32 s15, v4;
	[tilespmem:s19+$0x4800] =	vst.msk vm0, v9;
	(v2sf) =	vpush v10, $0x0  }
0xbc: {  	[tilespmem:s19+$0x6880] =	vst.msk vm0, v11  }
0xbd: {  	v9 =	vld [tilespmem:s17+$0xFFFFFFF0];
	_ =	sdelay $0x4  }
0xbe: {  	vm0 =	vlt.s32 v9, $0x0  }
0xbf: {  	v10 =	vsel vm0, $0x0, v5  }
0xc0: {  	v9 =	vxor.u32 v9, v10  }
0xc1: {  	v10 =	vshrl.u32 v9, $0x15  }
0xc2: {  	vm0 =	vlt.s32 v10, v8;
	vm1 =	veq.s32 v10, v8  }
0xc3: {  	v10 =	vsel vm0, $0x3F800000, v3;
	v11 =	vmpcnt.ones.xlane vm1;
	_ =	sdelay $0x1  }
0xc4: {  	(v2sf) =	vpush v11, $0x0  }
0xc5: {  	s20 =	spop (v2sf)  }
0xc6: {  	v9 =	vand.u32 $0x1FFFFF, v9;
	s19 =	sadd.s32 s19, s20;
	s20 =	sadd.s32 $0x10, s15;
	[tilespmem:s16+$0xFFFFFFF0] =	vst v10  }
0xc7: {  	v10 =	vor.u32 s20, v4;
	[tilespmem:s19+$0x4800] =	vst.msk vm1, v9  }
0xc8: {  	[tilespmem:s19+$0x6880] =	vst.msk vm1, v10  }
0xc9: {  	v9 =	vld [tilespmem:s17+$0x0];
	_ =	sdelay $0x4  }
0xca: {  	vm0 =	vlt.s32 v9, $0x0  }
0xcb: {  	v10 =	vsel vm0, $0x0, v5  }
0xcc: {  	v9 =	vxor.u32 v9, v10  }
0xcd: {  	v10 =	vshrl.u32 v9, $0x15  }
0xce: {  	vm0 =	vlt.s32 v10, v8;
	vm1 =	veq.s32 v10, v8  }
0xcf: {  	v10 =	vsel vm0, $0x3F800000, v3;
	v11 =	vmpcnt.ones.xlane vm1;
	s20 =	spop (v2sf)  }
0xd0: {  	v9 =	vand.u32 $0x1FFFFF, v9;
	s19 =	sadd.s32 s19, s20;
	s20 =	sadd.s32 $0x20, s15;
	[tilespmem:s16+$0x0] =	vst v10  }
0xd1: {  	v10 =	vor.u32 s20, v4;
	[tilespmem:s19+$0x4800] =	vst.msk vm1, v9;
	(v2sf) =	vpush v11, $0x0  }
0xd2: {  	[tilespmem:s19+$0x6880] =	vst.msk vm1, v10  }
0xd3: {  	v9 =	vld [tilespmem:s17+$0x10];
	_ =	sdelay $0x4  }
0xd4: {  	vm0 =	vlt.s32 v9, $0x0  }
0xd5: {  	v10 =	vsel vm0, $0x0, v5  }
0xd6: {  	v9 =	vxor.u32 v9, v10  }
0xd7: {  	v10 =	vshrl.u32 v9, $0x15  }
0xd8: {  	vm0 =	vlt.s32 v10, v8;
	vm1 =	veq.s32 v10, v8  }
0xd9: {  	v10 =	vsel vm0, $0x3F800000, v3;
	v11 =	vmpcnt.ones.xlane vm1  }
0xda: {  	[tilespmem:s16+$0x10] =	vst v10  }
0xdb: {  	(v2sf) =	vpush v11, $0x0  }
0xdc: {  	s20 =	spop (v2sf)  }
0xdd: {  	v9 =	vand.u32 $0x1FFFFF, v9;
	s19 =	sadd.s32 s19, s20;
	s20 =	sadd.s32 $0x30, s15  }
0xde: {  	v10 =	vor.u32 s20, v4;
	[tilespmem:s19+$0x4800] =	vst.msk vm1, v9  }
0xdf: {  	s17 =	sadd.s32 $0x40, s17;
	[tilespmem:s19+$0x6880] =	vst.msk vm1, v10  }
0xe0: {  	v9 =	vld [tilespmem:s17+$0xFFFFFFE0];
	_ =	sdelay $0x4  }
0xe1: {  	vm0 =	vlt.s32 v9, $0x0  }
.Ltmp5:
0xe2: {  	v10 =	vsel vm0, $0x0, v5;
	(pc) =	sbr.rel @p0 .LBB2_7-.Ltmp5, $4  }
0xe3: {  	v9 =	vxor.u32 v9, v10  }
0xe4: {  	v10 =	vshrl.u32 v9, $0x15;
	v9 =	vand.u32 $0x1FFFFF, v9  }
0xe5: {  	vm1 =	vlt.s32 v10, v8;
	vm0 =	veq.s32 v10, v8  }
0xe6: {  	s16 =	sadd.s32 $0x40, s16;
	v11 =	vsel vm1, $0x3F800000, v3;
	v10 =	vmpcnt.ones.xlane vm0;
	s20 =	spop (v2sf)  }
0xe7: {  	[tilespmem:s16+$0xFFFFFFE0] =	vst v11;
	s18 =	sadd.s32 s19, s20;
	s31 =	sadd.s32 $0x40, s15  }
0xe8: {  	v54 =	vor.u32 s31, v4;
	[tilespmem:s18+$0x4800] =	vst.msk vm0, v9;
	(v2sf) =	vpush v10, $0x0  }
0xe9: {  	[tilespmem:s18+$0x6880] =	vst.msk vm0, v54  }
0xea: {  	v9 =	vld [tilespmem:s17+$0xFFFFFFF0];
	_ =	sdelay $0x4  }
0xeb: {  	vm8 =	vlt.s32 v9, $0x0  }
0xec: {  	v55 =	vsel vm8, $0x0, v5  }
0xed: {  	v9 =	vxor.u32 v9, v55  }
0xee: {  	v10 =	vshrl.u32 v9, $0x15  }
0xef: {  	vm9 =	veq.s32 v10, v8  }
0xf0: {  	v56 =	vmpcnt.ones.xlane vm9;
	_ =	sdelay $0x1  }
0xf1: {  	vm1 =	vlt.s32 v10, v8;
	(v2sf) =	vpush v56, $0x0  }
0xf2: {  	v10 =	vsel vm1, $0x3F800000, v3;
	s21 =	spop (v2sf)  }
0xf3: {  	s22 =	sadd.s32 $0x10, s31;
	v9 =	vand.u32 $0x1FFFFF, v9;
	[tilespmem:s16+$0xFFFFFFF0] =	vst v10;
	s15 =	sadd.s32 s18, s21  }
0xf4: {  	v57 =	vor.u32 s22, v4;
	[tilespmem:s15+$0x4800] =	vst.msk vm9, v9  }
0xf5: {  	[tilespmem:s15+$0x6880] =	vst.msk vm9, v57  }
0xf6: {  	v9 =	vld [tilespmem:s17+$0x0];
	_ =	sdelay $0x4  }
0xf7: {  	vm10 =	vlt.s32 v9, $0x0  }
0xf8: {  	v58 =	vsel vm10, $0x0, v5  }
0xf9: {  	v9 =	vxor.u32 v9, v58  }
0xfa: {  	v10 =	vshrl.u32 v9, $0x15  }
0xfb: {  	vm11 =	vlt.s32 v10, v8  }
0xfc: {  	v59 =	vsel vm11, $0x3F800000, v3;
	s23 =	spop (v2sf)  }
0xfd: {  	s24 =	sadd.s32 $0x20, s31;
	v9 =	vand.u32 $0x1FFFFF, v9;
	vm12 =	veq.s32 v10, v8;
	s15 =	sadd.s32 s15, s23;
	[tilespmem:s16+$0x0] =	vst v59  }
0xfe: {  	v60 =	vor.u32 s24, v4;
	[tilespmem:s15+$0x4800] =	vst.msk vm12, v9  }
0xff: {  	[tilespmem:s15+$0x6880] =	vst.msk vm12, v60  }
0x100: {  	v9 =	vld [tilespmem:s17+$0x10];
	_ =	sdelay $0x4  }
0x101: {  	vm13 =	vlt.s32 v9, $0x0  }
0x102: {  	v61 =	vsel vm13, $0x0, v5  }
0x103: {  	v9 =	vxor.u32 v9, v61  }
0x104: {  	v10 =	vshrl.u32 v9, $0x15  }
0x105: {  	v62 =	vmpcnt.ones.xlane vm12;
	vm14 =	veq.s32 v10, v8  }
0x106: {  	v12 =	vmpcnt.ones.xlane vm14  }
0x107: {  	(v2sf) =	vpush v62, $0x0  }
0x108: {  	(v2sf) =	vpush v12, $0x0;
	_ =	sdelay $0xd  }
0x109: {  	s25 =	spop (v2sf)  }
0x10a: {  	s17 =	sadd.s32 s15, s25;
	s26 =	spop (v2sf)  }
0x10b: {  	s15 =	sadd.s32 s17, s26  }
0x10c: {  	s28 =	sadd.s32 $0xF, s15  }
0x10d: {  	s19 =	sadd.s32 $0x30, s31;
	s29 =	sand.u32 $0xF, s28  }
0x10e: {  	vm15 =	vlt.s32 v10, v8;
	s30 =	sshra.s32 s28, $0x1F;
	p1 =	slt.s32 s28, $0x1;
	p0 =	sne.s32 s29, $0x0  }
.Ltmp6:
0x10f: {  	v8 =	vsel vm15, $0x3F800000, v3;
	s20 =	sshrl.u32 s30, $0x1C;
	p0 =	por !p1, !p0;
	(pc) =	sbr.rel .LBB2_9-.Ltmp6, $4  }
0x110: {  	s18 =	simm.s32 $0x1;
	[tilespmem:s16+$0x10] =	vst v8;
	v8 =	vand.u32 $0x1FFFFF, v9;
	s31 =	sadd.s32 s20, s28;
	p0 =	por !p0, !p0  }
0x111: {  	v63 =	vor.u32 s19, v4;
	[tilespmem:s17+$0x4800] =	vst.msk vm14, v8;
	s16 =	sshra.s32 s31, $0x4;
	s18 =	simm.s32 @!p0 $0x0  }
0x112: {  	p2 =	sgt.s32 s14, $0x0;
	[tilespmem:s17+$0x6880] =	vst.msk vm14, v63;
	s18 =	ssub.s32 s16, s18  }
0x113: {  	s19 =	simm.s32 $0x0;
	s17 =	simm.s32 $0x0;
	[tilespmem:s15+$0x4800] =	vst v6;
	p1 =	slt.s32 s18, $0x1  }
.LBB2_75:
0x114: {  	s19 =	sadd.s32 $0x1, s19  }
0x115: {  	p0 =	seq.s32 s19, $0x15  }
.Ltmp7:
0x116: {  	_ = 	snop;
	(pc) =	sbr.rel @p0 .LBB2_37-.Ltmp7, $2  }
0x117: {  	_ =	sdelay $0x2  }
0x118: {  	s17 =	smov.u32 @p2 s20  }
.LBB2_9:
.Ltmp8:
0x119: {  	(pc) =	sbr.rel @p1 .LBB2_75-.Ltmp8, $3  }
0x11a: {  	_ =	sdelay $0x1  }
0x11b: {  	s16 =	sshrl.u32 s11, s19  }
0x11c: {  	s20 =	sor.u32 s16, s17  }
0x11d: {  	s16 =	simm.s32 $0x4800  }
0x11e: {  	p0 =	sne.s32 s18, $0x1;
	v9 =	vld [tilespmem:s16+$0x0]  }
.Ltmp9:
0x11f: {  	_ = 	snop;
	(pc) =	sbr.rel @!p0 .LBB2_11-.Ltmp9, $3  }
0x120: {  	_ =	sdelay $0x1  }
0x121: {  	s21 =	simm.s32 $0x0;
	v8 =	vmov s20;
	s22 =	simm.s32 $0x4810;
	p3 =	por $0x0, $0x0  }
0x122: {  	p4 =	por $0x0, $0x0;
	p5 =	por $0x0, $0x0;
	s16 =	sadd.s32 $0xFFFFFFFF, s18;
	vm0 =	vlt.s32 v9, v8  }
0x123: {  	v9 =	vld [tilespmem:s22+$0x0];
	p6 =	sne.s32 s16, $0x1  }
.Ltmp10:
0x124: {  	_ = 	snop;
	(pc) =	sbr.rel @!p6 .LBB2_13-.Ltmp10, $3  }
0x125: {  	_ = 	snop  }
0x126: {  	v10 =	vmpcnt.ones.xlane vm0;
	_ =	sdelay $0x1  }
0x127: {  	s22 =	sadd.s32 $0xFFFFFFFF, s16;
	s23 =	simm.s32 $0x4820;
	p3 =	por $0x1, $0x1;
	(v2sf) =	vpush v10, $0x0;
	vm0 =	vlt.s32 v9, v8  }
0x128: {  	v10 =	vmpcnt.ones.xlane vm0;
	_ =	sdelay $0x1  }
0x129: {  	(v2sf) =	vpush v10, $0x0;
	_ =	sdelay $0x3  }
0x12a: {  	v9 =	vld [tilespmem:s23+$0x0];
	p6 =	sne.s32 s22, $0x1  }
.Ltmp11:
0x12b: {  	_ = 	snop;
	(pc) =	sbr.rel @!p6 .LBB2_15-.Ltmp11, $2  }
0x12c: {  	_ =	sdelay $0x2  }
0x12d: {  	s22 =	sadd.s32 $0xFFFFFFFF, s22;
	s23 =	simm.s32 $0x4830;
	p4 =	por $0x1, $0x1;
	vm0 =	vlt.s32 v9, v8  }
0x12e: {  	v10 =	vmpcnt.ones.xlane vm0;
	_ =	sdelay $0x1  }
0x12f: {  	(v2sf) =	vpush v10, $0x0;
	_ =	sdelay $0x2  }
0x130: {  	v9 =	vld [tilespmem:s23+$0x0];
	p6 =	sne.s32 s22, $0x1  }
.Ltmp12:
0x131: {  	_ = 	snop;
	(pc) =	sbr.rel @!p6 .LBB2_17-.Ltmp12, $3  }
0x132: {  	_ =	sdelay $0x1  }
0x133: {  	s24 =	sadd.s32 $0xFFFFFFFF, s22;
	s25 =	simm.s32 $0x4840  }
0x134: {  	p5 =	por $0x1, $0x1;
	s22 =	simm.s32 $0x0;
	s23 =	spop (v2sf);
	vm0 =	vlt.s32 v9, v8  }
.LBB2_18:
0x135: {  	v9 =	vld [tilespmem:s25+$0x0];
	p6 =	sne.s32 s24, $0x1;
	s24 =	sadd.s32 $0xFFFFFFFF, s24;
	v10 =	vmpcnt.ones.xlane vm0;
	s22 =	sadd.s32 s22, s23  }
.Ltmp13:
0x136: {  	(pc) =	sbr.rel @p6 .LBB2_18-.Ltmp13, $2  }
0x137: {  	(v2sf) =	vpush v10, $0x0;
	_ =	sdelay $0x3  }
0x138: {  	s25 =	sadd.s32 $0x10, s25;
	vm0 =	vlt.s32 v9, v8;
	s23 =	spop (v2sf)  }
0x139: {  	_ = 	snop  }
.LBB2_20:
0x13a: {  	v8 =	vmpcnt.ones.xlane vm0;
	_ =	sdelay $0x1  }
0x13b: {  	(v2sf) =	vpush v8, $0x0;
	_ =	sdelay $0x9  }
0x13c: {  	s22 =	sadd.s32 @p5 s22, s23;
	s23 =	spop @p4 (v2sf);
	s24 =	simm.s32 $0x0  }
0x13d: {  	s19 =	sadd.s32 $0x1, s19;
	s23 =	smov.u32 @p4 s23;
	s24 =	smov.u32 @p5 s22  }
0x13e: {  	s22 =	sadd.s32 @p4 s24, s23;
	s24 =	simm.s32 $0x0;
	s23 =	spop @p3 (v2sf)  }
0x13f: {  	s24 =	smov.u32 @p4 s22;
	p4 =	seq.s32 s19, $0x15;
	s23 =	smov.u32 @p3 s23  }
.Ltmp14:
0x140: {  	s22 =	sadd.s32 @p3 s24, s23;
	(pc) =	sbr.rel @!p4 .LBB2_9-.Ltmp14, $4  }
.Ltmp15:
0x141: {  	s21 =	smov.u32 @p3 s22;
	s31 =	spop (v2sf);
	(pc) =	sbr.rel @p4 .LBB2_21-.Ltmp15, $4  }
0x142: {  	s21 =	sadd.s32 s21, s31  }
0x143: {  	p3 =	slt.s32 s21, s14  }
0x144: {  	s17 =	smov.u32 @p3 s20  }
0x145: {  	_ = 	snop  }
.LBB2_11:
.Ltmp16:
0x146: {  	(pc) =	sbr.rel .LBB2_20-.Ltmp16, $2  }
0x147: {  	_ =	sdelay $0x2  }
0x148: {  	s22 =	simm.s32 $0x0  }
.LBB2_13:
.Ltmp17:
0x149: {  	(pc) =	sbr.rel .LBB2_20-.Ltmp17, $2  }
0x14a: {  	_ =	sdelay $0x2  }
0x14b: {  	s22 =	simm.s32 $0x0  }
.LBB2_15:
.Ltmp18:
0x14c: {  	(pc) =	sbr.rel .LBB2_20-.Ltmp18, $2  }
0x14d: {  	_ =	sdelay $0x2  }
0x14e: {  	s22 =	simm.s32 $0x0  }
.LBB2_17:
.Ltmp19:
0x14f: {  	(pc) =	sbr.rel .LBB2_20-.Ltmp19, $2  }
0x150: {  	_ =	sdelay $0x2  }
0x151: {  	s22 =	simm.s32 $0x0  }
.LBB2_21:
0x152: {  	s18 =	simm.s32 $0x4800  }
0x153: {  	v9 =	vld [tilespmem:s18+$0x0]  }
.Ltmp20:
0x154: {  	_ = 	snop;
	(pc) =	sbr.rel @!p0 .LBB2_22-.Ltmp20, $3  }
0x155: {  	_ =	sdelay $0x1  }
0x156: {  	v8 =	vmov s17;
	s17 =	simm.s32 $0x0;
	p2 =	por $0x0, $0x0  }
0x157: {  	p3 =	por $0x0, $0x0;
	p1 =	por $0x0, $0x0;
	s18 =	simm.s32 $0x4810;
	vm0 =	vlt.s32 v9, v8  }
0x158: {  	v9 =	vld [tilespmem:s18+$0x0];
	p4 =	sne.s32 s16, $0x1  }
.Ltmp21:
0x159: {  	_ = 	snop;
	(pc) =	sbr.rel @!p4 .LBB2_24-.Ltmp21, $3  }
0x15a: {  	_ = 	snop  }
0x15b: {  	v10 =	vmpcnt.ones.xlane vm0;
	_ =	sdelay $0x1  }
0x15c: {  	s18 =	sadd.s32 $0xFFFFFFFF, s16;
	s19 =	simm.s32 $0x4820;
	p2 =	por $0x1, $0x1;
	(v2sf) =	vpush v10, $0x0;
	vm0 =	vlt.s32 v9, v8  }
0x15d: {  	v10 =	vmpcnt.ones.xlane vm0;
	_ =	sdelay $0x1  }
0x15e: {  	(v2sf) =	vpush v10, $0x0;
	_ =	sdelay $0x3  }
0x15f: {  	v9 =	vld [tilespmem:s19+$0x0];
	p4 =	sne.s32 s18, $0x1  }
.Ltmp22:
0x160: {  	_ = 	snop;
	(pc) =	sbr.rel @!p4 .LBB2_26-.Ltmp22, $2  }
0x161: {  	_ =	sdelay $0x2  }
0x162: {  	s18 =	sadd.s32 $0xFFFFFFFF, s18;
	s19 =	simm.s32 $0x4830;
	p3 =	por $0x1, $0x1;
	vm0 =	vlt.s32 v9, v8  }
0x163: {  	v10 =	vmpcnt.ones.xlane vm0;
	_ =	sdelay $0x1  }
0x164: {  	(v2sf) =	vpush v10, $0x0;
	_ =	sdelay $0x2  }
0x165: {  	v9 =	vld [tilespmem:s19+$0x0];
	p5 =	sne.s32 s18, $0x1  }
.Ltmp23:
0x166: {  	_ = 	snop;
	(pc) =	sbr.rel @!p5 .LBB2_28-.Ltmp23, $3  }
0x167: {  	_ =	sdelay $0x1  }
0x168: {  	s20 =	sadd.s32 $0xFFFFFFFF, s18;
	s21 =	simm.s32 $0x4840  }
0x169: {  	p4 =	por $0x1, $0x1;
	s18 =	simm.s32 $0x0;
	s19 =	spop (v2sf);
	vm0 =	vlt.s32 v9, v8  }
.LBB2_29:
0x16a: {  	v9 =	vld [tilespmem:s21+$0x0];
	p5 =	sne.s32 s20, $0x1;
	s20 =	sadd.s32 $0xFFFFFFFF, s20;
	v10 =	vmpcnt.ones.xlane vm0;
	s18 =	sadd.s32 s18, s19  }
.Ltmp24:
0x16b: {  	(pc) =	sbr.rel @p5 .LBB2_29-.Ltmp24, $2  }
0x16c: {  	(v2sf) =	vpush v10, $0x0;
	_ =	sdelay $0x3  }
0x16d: {  	s21 =	sadd.s32 $0x10, s21;
	vm0 =	vlt.s32 v9, v8;
	s19 =	spop (v2sf)  }
0x16e: {  	_ = 	snop  }
.LBB2_31:
0x16f: {  	v9 =	vmpcnt.ones.xlane vm0;
	_ =	sdelay $0x1  }
0x170: {  	(v2sf) =	vpush v9, $0x0;
	_ =	sdelay $0x9  }
0x171: {  	s18 =	sadd.s32 @p4 s18, s19;
	s19 =	spop @p3 (v2sf);
	s20 =	simm.s32 $0x0  }
0x172: {  	s19 =	smov.u32 @p3 s19;
	s20 =	smov.u32 @p4 s18  }
0x173: {  	s18 =	sadd.s32 @p3 s20, s19;
	s20 =	simm.s32 $0x0;
	s19 =	spop @p2 (v2sf)  }
0x174: {  	s20 =	smov.u32 @p3 s18;
	s19 =	smov.u32 @p2 s19  }
.Ltmp25:
0x175: {  	s18 =	sadd.s32 @p2 s20, s19;
	(pc) =	sbr.rel @!p0 .LBB2_32-.Ltmp25, $4  }
0x176: {  	s17 =	smov.u32 @p2 s18;
	s31 =	spop (v2sf)  }
0x177: {  	s17 =	sadd.s32 s17, s31  }
0x178: {  	s14 =	ssub.s32 s14, s17  }
0x179: {  	v10 =	vmov s15;
	s15 =	simm.s32 $0x0;
	s17 =	simm.s32 $0x4800;
	v9 =	vmov s14;
	s14 =	simm.s32 $0x6880  }
0x17a: {  	v11 =	vld [tilespmem:s17+$0x0];
	_ =	sdelay $0x3  }
0x17b: {  	v12 =	vor.u32 s15, v4  }
0x17c: {  	vm0 =	vlt.s32 v12, v10;
	vm1 =	veq.s32 v11, v8  }
0x17d: {  	vm1 =	vmand vm0, vm1  }
0x17e: {  	v61 =	vmpcnt.ones.xlane vm1;
	v13 =	vsel vm1, $0x1, v0  }
0x17f: {  	(xrf0) =	vadd.scan.msk.s32 $0xffff, v13  }
0x180: {  	(v2sf) =	vpush v61, $0x0;
	_ =	sdelay $0x4  }
0x181: {  	v62, _, _ =	vpop (xrf0)  }
0x182: {  	v12 =	vadd.s32 s15, v62  }
0x183: {  	v63 =	vld [tilespmem:s14+$0x0];
	vm2 =	vlt.s32 v11, v8;
	vm3 =	vle.s32 v12, v9  }
0x184: {  	vm0 =	vmand vm0, vm2;
	vm1 =	vmand vm1, vm3  }
0x185: {  	vm0 =	vmor vm0, vm1  }
0x186: {  	p0 =	sne.s32 s16, $0x1  }
.Ltmp26:
0x187: {  	_ = 	snop;
	(pc) =	sbr.rel @!p0 .LBB2_34-.Ltmp26, $4  }
0x188: {  	_ = 	snop  }
0x189: {  	s20 =	sadd.s32 $0xFFFFFFFF, s16  }
0x18a: {  	s17 =	simm.s32 $0x4810;
	p1 =	por $0x1, $0x1;
	s16 =	simm.s32 $0x0  }
0x18b: {  	s19 =	simm.s32 $0x0;
	s18 =	simm.s32 $0x6880;
	s21 =	spop (v2sf);
	[tilespmem:v63+s12+$0x0] =	vst.idx.msk vm0, v7  }
.LBB2_35:
0x18c: {  	p0 =	sne.s32 s20, $0x1;
	v11 =	vld [tilespmem:s17+$0x0];
	s16 =	sadd.s32 s16, s21;
	_ =	sdelay $0x2  }
0x18d: {  	s19 =	sadd.s32 $0x10, s19  }
0x18e: {  	v12 =	vor.u32 s19, v4  }
0x18f: {  	vm0 =	vlt.s32 v12, v10;
	vm1 =	veq.s32 v11, v8  }
0x190: {  	vm1 =	vmand vm0, vm1  }
0x191: {  	v12 =	vsel vm1, $0x1, v0;
	v13 =	vmpcnt.ones.xlane vm1  }
0x192: {  	(xrf0) =	vadd.scan.msk.s32 $0xffff, v12  }
0x193: {  	(v2sf) =	vpush v13, $0x0;
	_ =	sdelay $0x4  }
0x194: {  	v12, _, _ =	vpop (xrf0)  }
0x195: {  	s18 =	sadd.s32 $0x10, s18;
	v12 =	vadd.s32 s16, v12  }
0x196: {  	vm2 =	vlt.s32 v11, v8;
	v13 =	vld [tilespmem:s18+$0x0];
	vm3 =	vle.s32 v12, v9  }
0x197: {  	vm0 =	vmand vm0, vm2;
	vm1 =	vmand vm1, vm3  }
0x198: {  	vm0 =	vmor vm0, vm1;
	_ =	sdelay $0x1  }
.Ltmp27:
0x199: {  	(pc) =	sbr.rel @p0 .LBB2_35-.Ltmp27, $2  }
0x19a: {  	_ =	sdelay $0x2  }
0x19b: {  	s20 =	sadd.s32 $0xFFFFFFFF, s20;
	s17 =	sadd.s32 $0x10, s17;
	[tilespmem:v13+s12+$0x0] =	vst.idx.msk vm0, v7;
	s21 =	spop (v2sf)  }
.LBB2_36:
0x19c: {  	v11 =	vld [tilespmem:s17+$0x0];
	_ =	sdelay $0x1  }
0x19d: {  	s17 =	sadd.s32 @p1 $0x10, s19;
	s19 =	simm.s32 $0x0  }
0x19e: {  	s19 =	smov.u32 @p1 s17  }
0x19f: {  	v12 =	vor.u32 s19, v4  }
0x1a0: {  	vm0 =	vlt.s32 v12, v10;
	vm1 =	veq.s32 v11, v8  }
0x1a1: {  	vm1 =	vmand vm0, vm1  }
0x1a2: {  	v61 =	vsel vm1, $0x1, v0;
	v62 =	vmpcnt.ones.xlane vm1  }
0x1a3: {  	(xrf0) =	vadd.scan.msk.s32 $0xffff, v61  }
0x1a4: {  	(v2sf) =	vpush v62, $0x0;
	_ =	sdelay $0x3  }
0x1a5: {  	s16 =	sadd.s32 @p1 s16, s21  }
0x1a6: {  	s15 =	smov.u32 @p1 s16;
	s16 =	sadd.s32 @p1 $0x10, s18;
	v10, _, _ =	vpop (xrf0)  }
0x1a7: {  	s14 =	smov.u32 @p1 s16;
	v10 =	vadd.s32 s15, v10  }
0x1a8: {  	v63 =	vld [tilespmem:s14+$0x0];
	vm2 =	vlt.s32 v11, v8;
	vm3 =	vle.s32 v10, v9  }
0x1a9: {  	vm0 =	vmand vm0, vm2;
	vm1 =	vmand vm1, vm3  }
0x1aa: {  	vm0 =	vmor vm0, vm1;
	_ =	sdelay $0x5  }
0x1ab: {  	[tilespmem:v63+s12+$0x0] =	vst.idx.msk vm0, v7;
	s31 =	spop (v2sf)  }
.LBB2_37:
0x1ac: {  	[hbm4b:s4+s8] =	stream.strided.scatter [tilespmem:s12], [sflag:$0x1], $0x2000, s9, s8, $0x38;
	[tilespmem:$0x8900] =	vst v63  }
0x1ad: {  	_ =	swait.ge [sflag:s10], $0x2000  }
0x1ae: {  	[sflag:s10] =	ssyncset.done $0x0  }
0x1af: {  	[sflag:s10] =	ssyncadd.s32 $0xFFFFE000  }
0x1b0: {  	[tilespmem:s2], [sflag:$0x1] =	stream.strided.gather [hbm4b:s5+s8], $0x2000, s9, s8, $0x38;
	[tilespmem:$0x8900] =	vst v63  }
0x1b1: {  	_ =	swait.ge [sflag:s10], $0x2000  }
0x1b2: {  	[sflag:s10] =	ssyncset.done $0x0  }
0x1b3: {  	s14 =	simm.s32 $0x4040;
	[sflag:s10] =	ssyncadd.s32 $0xFFFFE000  }
0x1b4: {  	[tilespmem:s14+$0xFFFFFFC0] =	vst v0  }
0x1b5: {  	[tilespmem:s14+$0x30] =	vst v0  }
0x1b6: {  	[tilespmem:s14+$0x20] =	vst v0  }
0x1b7: {  	[tilespmem:s14+$0x10] =	vst v0  }
0x1b8: {  	[tilespmem:s14+$0x0] =	vst v0  }
0x1b9: {  	[tilespmem:s14+$0xFFFFFFF0] =	vst v0  }
0x1ba: {  	s16 =	simm.s32 $0xFFFFFFF8;
	s15 =	simm.s32 $0x0;
	[tilespmem:s14+$0xFFFFFFE0] =	vst v0  }
.LBB2_38:
0x1bb: {  	s15 =	sadd.s32 $0x8, s15;
	[tilespmem:s14+$0xFFFFFFD0] =	vst v0;
	s14 =	sadd.s32 $0x80, s14  }
0x1bc: {  	[tilespmem:s14+$0xFFFFFFC0] =	vst v0;
	p0 =	slt.u32 s15, $0x78  }
0x1bd: {  	[tilespmem:s14+$0x30] =	vst v0  }
.Ltmp28:
0x1be: {  	[tilespmem:s14+$0x20] =	vst v0;
	(pc) =	sbr.rel @p0 .LBB2_38-.Ltmp28, $4  }
0x1bf: {  	[tilespmem:s14+$0x10] =	vst v0  }
0x1c0: {  	[tilespmem:s14+$0x0] =	vst v0  }
0x1c1: {  	[tilespmem:s14+$0xFFFFFFF0] =	vst v0  }
0x1c2: {  	[tilespmem:s14+$0xFFFFFFE0] =	vst v0  }
0x1c3: {  	[tilespmem:s14+$0xFFFFFFD0] =	vst v0;
	s17 =	simm.s32 $0x40  }
.LBB2_40:
0x1c4: {  	v8 =	vld [tilespmem:s17+$0xFFFFFFC0];
	_ =	sdelay $0x4  }
0x1c5: {  	vm0 =	vlt.s32 v8, $0x0  }
0x1c6: {  	v9 =	vsel vm0, $0x0, v1  }
0x1c7: {  	v8 =	vxor.u32 v8, v9  }
0x1c8: {  	v8 =	vshrl.u32 v8, $0x15;
	_ =	sdelay $0x3  }
0x1c9: {  	s15 =	simm.s32 $0x4000  }
0x1ca: {  	[tilespmem:v8+s15+$0x0] =	vst.idx.add.s32.msk $0xffff, v2  }
0x1cb: {  	v8 =	vld [tilespmem:s17+$0xFFFFFFD0];
	_ =	sdelay $0x4  }
0x1cc: {  	vm9 =	vlt.s32 v8, $0x0  }
0x1cd: {  	v57 =	vsel vm9, $0x0, v1  }
0x1ce: {  	v8 =	vxor.u32 v8, v57  }
0x1cf: {  	v8 =	vshrl.u32 v8, $0x15;
	_ =	sdelay $0x4  }
0x1d0: {  	[tilespmem:v8+s15+$0x0] =	vst.idx.add.s32.msk $0xffff, v2  }
0x1d1: {  	v8 =	vld [tilespmem:s17+$0xFFFFFFE0];
	_ =	sdelay $0x4  }
0x1d2: {  	vm10 =	vlt.s32 v8, $0x0  }
0x1d3: {  	v58 =	vsel vm10, $0x0, v1  }
0x1d4: {  	v8 =	vxor.u32 v8, v58  }
0x1d5: {  	v8 =	vshrl.u32 v8, $0x15;
	_ =	sdelay $0x4  }
0x1d6: {  	[tilespmem:v8+s15+$0x0] =	vst.idx.add.s32.msk $0xffff, v2  }
0x1d7: {  	v8 =	vld [tilespmem:s17+$0xFFFFFFF0];
	_ =	sdelay $0x4  }
0x1d8: {  	vm11 =	vlt.s32 v8, $0x0  }
0x1d9: {  	v59 =	vsel vm11, $0x0, v1  }
0x1da: {  	v8 =	vxor.u32 v8, v59  }
0x1db: {  	v8 =	vshrl.u32 v8, $0x15;
	_ =	sdelay $0x4  }
0x1dc: {  	[tilespmem:v8+s15+$0x0] =	vst.idx.add.s32.msk $0xffff, v2  }
0x1dd: {  	v8 =	vld [tilespmem:s17+$0x0];
	_ =	sdelay $0x4  }
0x1de: {  	vm12 =	vlt.s32 v8, $0x0  }
0x1df: {  	v60 =	vsel vm12, $0x0, v1  }
0x1e0: {  	v8 =	vxor.u32 v8, v60  }
0x1e1: {  	v8 =	vshrl.u32 v8, $0x15;
	_ =	sdelay $0x4  }
0x1e2: {  	[tilespmem:v8+s15+$0x0] =	vst.idx.add.s32.msk $0xffff, v2  }
0x1e3: {  	v8 =	vld [tilespmem:s17+$0x10];
	_ =	sdelay $0x4  }
0x1e4: {  	vm13 =	vlt.s32 v8, $0x0  }
0x1e5: {  	v61 =	vsel vm13, $0x0, v1  }
0x1e6: {  	v8 =	vxor.u32 v8, v61  }
0x1e7: {  	v8 =	vshrl.u32 v8, $0x15;
	_ =	sdelay $0x4  }
0x1e8: {  	[tilespmem:v8+s15+$0x0] =	vst.idx.add.s32.msk $0xffff, v2  }
0x1e9: {  	v8 =	vld [tilespmem:s17+$0x20];
	_ =	sdelay $0x4  }
0x1ea: {  	vm14 =	vlt.s32 v8, $0x0  }
0x1eb: {  	v62 =	vsel vm14, $0x0, v1  }
0x1ec: {  	v8 =	vxor.u32 v8, v62  }
0x1ed: {  	v8 =	vshrl.u32 v8, $0x15;
	_ =	sdelay $0x4  }
0x1ee: {  	[tilespmem:v8+s15+$0x0] =	vst.idx.add.s32.msk $0xffff, v2  }
0x1ef: {  	v8 =	vld [tilespmem:s17+$0x30];
	_ =	sdelay $0x4  }
0x1f0: {  	vm15 =	vlt.s32 v8, $0x0  }
0x1f1: {  	v63 =	vsel vm15, $0x0, v1  }
0x1f2: {  	s16 =	sadd.s32 $0x8, s16;
	v8 =	vxor.u32 v8, v63  }
0x1f3: {  	p0 =	slt.u32 s16, $0x1F8;
	v8 =	vshrl.u32 v8, $0x15  }
.Ltmp29:
0x1f4: {  	_ = 	snop;
	(pc) =	sbr.rel @p0 .LBB2_40-.Ltmp29, $3  }
0x1f5: {  	_ =	sdelay $0x1  }
0x1f6: {  	s18 =	simm.s32 $0x0;
	s14 =	simm.s32 $0x0;
	s19 =	simm.s32 $0x0  }
0x1f7: {  	s20 =	simm.s32 $0x0;
	s21 =	simm.s32 $0x0;
	s17 =	sadd.s32 $0x80, s17;
	[tilespmem:v8+s15+$0x0] =	vst.idx.add.s32.msk $0xffff, v2  }
.LBB2_41:
0x1f8: {  	v8 =	vld [tilespmem:s15+$0x0];
	_ =	sdelay $0x4  }
0x1f9: {  	(xrf0) =	vadd.scan.msk.s32 $0xffff, v8;
	_ =	sdelay $0x5  }
0x1fa: {  	v9, _, _ =	vpop (xrf0)  }
0x1fb: {  	v10 =	vadd.s32 s20, v9  }
0x1fc: {  	vm0 =	vgt.s32 v10, $0xFF  }
0x1fd: {  	v63 =	vsel vm0, $0x3F800000, v3  }
0x1fe: {  	v11 =	vmctz.xlane vm0;
	(xrf0) =	vmax.scan.msk.f32 $0xffff, v63  }
0x1ff: {  	v8 =	vsub.s32 v10, v8  }
0x200: {  	v8 =	vxor.u32 $0x80000000, v8;
	vm15 =	veq.s32 v11, v4  }
0x201: {  	v8 =	vnsel vm15, $0x80000000, v8  }
0x202: {  	(xrf0) =	vmax.scan.msk.u32 $0xffff, v8;
	_ =	sdelay $0x1  }
0x203: {  	v8, _, _ =	vpop (xrf0)  }
0x204: {  	(v2sf) =	vpush v8, $0xF;
	_ =	sdelay $0x2  }
0x205: {  	v8, _, _ =	vpop (xrf0)  }
0x206: {  	(v2sf) =	vpush v8, $0xF  }
0x207: {  	(v2sf) =	vpush v11, $0x0;
	_ =	sdelay $0x1  }
0x208: {  	(v2sf) =	vpush v9, $0xF;
	_ =	sdelay $0x7  }
0x209: {  	p0 =	sgt.u32 s21, $0x7E;
	s16 =	spop (v2sf)  }
0x20a: {  	p1 =	sgt.f32 @!p0 s16, $0.0e+00;
	_ =	sdelay $0x1  }
0x20b: {  	p0 =	por p0, p1  }
.Ltmp30:
0x20c: {  	s17 =	spop (v2sf);
	(pc) =	sbr.rel @!p0 .LBB2_41-.Ltmp30, $4  }
0x20d: {  	s21 =	sadd.s32 $0x1, s21;
	s15 =	sadd.s32 $0x10, s15;
	s22 =	spop (v2sf)  }
0x20e: {  	p1 =	sgt.f32 s16, $0.0e+00;
	s30 =	sxor.u32 $0x80000000, s17;
	s17 =	sadd.s32 s18, s22  }
0x20f: {  	s16 =	ssub.s32 $0x100, s30;
	s31 =	spop (v2sf);
	s18 =	sadd.s32 $0x10, s18  }
0x210: {  	s20 =	sadd.s32 s20, s31;
	s19 =	smov.u32 @p1 s17;
	s14 =	smov.u32 @p1 s16  }
0x211: {  	s17 =	simm.s32 $0x20  }
0x212: {  	v9 =	vld [tilespmem:s17+$0xFFFFFFE0];
	_ =	sdelay $0x4  }
0x213: {  	vm0 =	vlt.s32 v9, $0x0  }
0x214: {  	v10 =	vsel vm0, $0x0, v5  }
0x215: {  	v9 =	vxor.u32 v9, v10  }
0x216: {  	v8 =	vmov s19;
	v10 =	vshrl.u32 v9, $0x15  }
0x217: {  	vm0 =	vlt.s32 v10, v8;
	vm1 =	veq.s32 v10, v8  }
0x218: {  	s16 =	simm.s32 $0x2020;
	v10 =	vsel vm0, $0x3F800000, v3;
	v11 =	vmpcnt.ones.xlane vm1  }
0x219: {  	s15 =	simm.s32 $0x0;
	v9 =	vand.u32 $0x1FFFFF, v9;
	[tilespmem:s16+$0xFFFFFFE0] =	vst v10  }
0x21a: {  	v10 =	vor.u32 s15, v4;
	[tilespmem:s15+$0x4800] =	vst.msk vm1, v9;
	(v2sf) =	vpush v11, $0x0  }
0x21b: {  	[tilespmem:s15+$0x6880] =	vst.msk vm1, v10  }
0x21c: {  	v9 =	vld [tilespmem:s17+$0xFFFFFFF0];
	_ =	sdelay $0x4  }
0x21d: {  	vm0 =	vlt.s32 v9, $0x0  }
0x21e: {  	v10 =	vsel vm0, $0x0, v5  }
0x21f: {  	v9 =	vxor.u32 v9, v10  }
0x220: {  	v10 =	vshrl.u32 v9, $0x15  }
0x221: {  	vm0 =	veq.s32 v10, v8  }
0x222: {  	v11 =	vmpcnt.ones.xlane vm0;
	_ =	sdelay $0x1  }
0x223: {  	vm1 =	vlt.s32 v10, v8;
	(v2sf) =	vpush v11, $0x0  }
0x224: {  	v10 =	vsel vm1, $0x3F800000, v3;
	s18 =	spop (v2sf)  }
0x225: {  	s26 =	simm.s32 $0x10;
	v9 =	vand.u32 $0x1FFFFF, v9;
	[tilespmem:s16+$0xFFFFFFF0] =	vst v10;
	s18 =	sadd.s32 $0x0, s18  }
0x226: {  	v10 =	vor.u32 s26, v4;
	[tilespmem:s18+$0x4800] =	vst.msk vm0, v9  }
0x227: {  	[tilespmem:s18+$0x6880] =	vst.msk vm0, v10  }
0x228: {  	v9 =	vld [tilespmem:s17+$0x0];
	_ =	sdelay $0x4  }
0x229: {  	vm0 =	vlt.s32 v9, $0x0  }
0x22a: {  	v10 =	vsel vm0, $0x0, v5  }
0x22b: {  	v9 =	vxor.u32 v9, v10  }
0x22c: {  	v10 =	vshrl.u32 v9, $0x15  }
0x22d: {  	vm0 =	vlt.s32 v10, v8;
	vm1 =	veq.s32 v10, v8  }
0x22e: {  	v10 =	vsel vm0, $0x3F800000, v3;
	v11 =	vmpcnt.ones.xlane vm1;
	s28 =	spop (v2sf)  }
0x22f: {  	s29 =	simm.s32 $0x20;
	v9 =	vand.u32 $0x1FFFFF, v9;
	s18 =	sadd.s32 s18, s28;
	[tilespmem:s16+$0x0] =	vst v10  }
0x230: {  	v10 =	vor.u32 s29, v4;
	[tilespmem:s18+$0x4800] =	vst.msk vm1, v9;
	(v2sf) =	vpush v11, $0x0  }
0x231: {  	[tilespmem:s18+$0x6880] =	vst.msk vm1, v10  }
0x232: {  	v9 =	vld [tilespmem:s17+$0x10];
	_ =	sdelay $0x4  }
0x233: {  	vm0 =	vlt.s32 v9, $0x0  }
0x234: {  	v10 =	vsel vm0, $0x0, v5  }
0x235: {  	v9 =	vxor.u32 v9, v10  }
0x236: {  	v10 =	vshrl.u32 v9, $0x15  }
0x237: {  	vm0 =	veq.s32 v10, v8  }
0x238: {  	v11 =	vmpcnt.ones.xlane vm0;
	_ =	sdelay $0x1  }
0x239: {  	vm1 =	vlt.s32 v10, v8;
	(v2sf) =	vpush v11, $0x0  }
0x23a: {  	v10 =	vsel vm1, $0x3F800000, v3;
	s30 =	spop (v2sf)  }
0x23b: {  	s31 =	simm.s32 $0x30;
	v9 =	vand.u32 $0x1FFFFF, v9;
	[tilespmem:s16+$0x10] =	vst v10;
	s19 =	sadd.s32 s18, s30  }
0x23c: {  	v10 =	vor.u32 s31, v4;
	[tilespmem:s19+$0x4800] =	vst.msk vm0, v9  }
0x23d: {  	s17 =	simm.s32 $0x60;
	[tilespmem:s19+$0x6880] =	vst.msk vm0, v10  }
0x23e: {  	v9 =	vld [tilespmem:s17+$0xFFFFFFE0];
	_ =	sdelay $0x4  }
0x23f: {  	vm0 =	vlt.s32 v9, $0x0  }
0x240: {  	v10 =	vsel vm0, $0x0, v5  }
0x241: {  	v9 =	vxor.u32 v9, v10  }
0x242: {  	v10 =	vshrl.u32 v9, $0x15  }
0x243: {  	vm1 =	vlt.s32 v10, v8;
	vm0 =	veq.s32 v10, v8  }
0x244: {  	s16 =	simm.s32 $0x2060;
	s18 =	simm.s32 $0x4;
	v9 =	vand.u32 $0x1FFFFF, v9;
	v11 =	vsel vm1, $0x3F800000, v3;
	v10 =	vmpcnt.ones.xlane vm0;
	s20 =	spop (v2sf)  }
.LBB2_43:
0x245: {  	s18 =	sadd.s32 $0x4, s18;
	[tilespmem:s16+$0xFFFFFFE0] =	vst v11;
	s19 =	sadd.s32 s19, s20;
	s15 =	sadd.s32 $0x40, s15  }
0x246: {  	p0 =	slt.u32 s18, $0x1FC;
	v11 =	vor.u32 s15, v4;
	[tilespmem:s19+$0x4800] =	vst.msk vm0, v9;
	(v2sf) =	vpush v10, $0x0  }
0x247: {  	[tilespmem:s19+$0x6880] =	vst.msk vm0, v11  }
0x248: {  	v9 =	vld [tilespmem:s17+$0xFFFFFFF0];
	_ =	sdelay $0x4  }
0x249: {  	vm0 =	vlt.s32 v9, $0x0  }
0x24a: {  	v10 =	vsel vm0, $0x0, v5  }
0x24b: {  	v9 =	vxor.u32 v9, v10  }
0x24c: {  	v10 =	vshrl.u32 v9, $0x15  }
0x24d: {  	vm0 =	vlt.s32 v10, v8;
	vm1 =	veq.s32 v10, v8  }
0x24e: {  	v10 =	vsel vm0, $0x3F800000, v3;
	v11 =	vmpcnt.ones.xlane vm1;
	_ =	sdelay $0x1  }
0x24f: {  	(v2sf) =	vpush v11, $0x0  }
0x250: {  	s20 =	spop (v2sf)  }
0x251: {  	v9 =	vand.u32 $0x1FFFFF, v9;
	s19 =	sadd.s32 s19, s20;
	s20 =	sadd.s32 $0x10, s15;
	[tilespmem:s16+$0xFFFFFFF0] =	vst v10  }
0x252: {  	v10 =	vor.u32 s20, v4;
	[tilespmem:s19+$0x4800] =	vst.msk vm1, v9  }
0x253: {  	[tilespmem:s19+$0x6880] =	vst.msk vm1, v10  }
0x254: {  	v9 =	vld [tilespmem:s17+$0x0];
	_ =	sdelay $0x4  }
0x255: {  	vm0 =	vlt.s32 v9, $0x0  }
0x256: {  	v10 =	vsel vm0, $0x0, v5  }
0x257: {  	v9 =	vxor.u32 v9, v10  }
0x258: {  	v10 =	vshrl.u32 v9, $0x15  }
0x259: {  	vm0 =	vlt.s32 v10, v8;
	vm1 =	veq.s32 v10, v8  }
0x25a: {  	v10 =	vsel vm0, $0x3F800000, v3;
	v11 =	vmpcnt.ones.xlane vm1;
	s20 =	spop (v2sf)  }
0x25b: {  	v9 =	vand.u32 $0x1FFFFF, v9;
	s19 =	sadd.s32 s19, s20;
	s20 =	sadd.s32 $0x20, s15;
	[tilespmem:s16+$0x0] =	vst v10  }
0x25c: {  	v10 =	vor.u32 s20, v4;
	[tilespmem:s19+$0x4800] =	vst.msk vm1, v9;
	(v2sf) =	vpush v11, $0x0  }
0x25d: {  	[tilespmem:s19+$0x6880] =	vst.msk vm1, v10  }
0x25e: {  	v9 =	vld [tilespmem:s17+$0x10];
	_ =	sdelay $0x4  }
0x25f: {  	vm0 =	vlt.s32 v9, $0x0  }
0x260: {  	v10 =	vsel vm0, $0x0, v5  }
0x261: {  	v9 =	vxor.u32 v9, v10  }
0x262: {  	v10 =	vshrl.u32 v9, $0x15  }
0x263: {  	vm0 =	vlt.s32 v10, v8;
	vm1 =	veq.s32 v10, v8  }
0x264: {  	v10 =	vsel vm0, $0x3F800000, v3;
	v11 =	vmpcnt.ones.xlane vm1  }
0x265: {  	[tilespmem:s16+$0x10] =	vst v10  }
0x266: {  	(v2sf) =	vpush v11, $0x0  }
0x267: {  	s20 =	spop (v2sf)  }
0x268: {  	v9 =	vand.u32 $0x1FFFFF, v9;
	s19 =	sadd.s32 s19, s20;
	s20 =	sadd.s32 $0x30, s15  }
0x269: {  	v10 =	vor.u32 s20, v4;
	[tilespmem:s19+$0x4800] =	vst.msk vm1, v9  }
0x26a: {  	s17 =	sadd.s32 $0x40, s17;
	[tilespmem:s19+$0x6880] =	vst.msk vm1, v10  }
0x26b: {  	v9 =	vld [tilespmem:s17+$0xFFFFFFE0];
	_ =	sdelay $0x4  }
0x26c: {  	vm0 =	vlt.s32 v9, $0x0  }
.Ltmp31:
0x26d: {  	v10 =	vsel vm0, $0x0, v5;
	(pc) =	sbr.rel @p0 .LBB2_43-.Ltmp31, $4  }
0x26e: {  	v9 =	vxor.u32 v9, v10  }
0x26f: {  	v10 =	vshrl.u32 v9, $0x15;
	v9 =	vand.u32 $0x1FFFFF, v9  }
0x270: {  	vm1 =	vlt.s32 v10, v8;
	vm0 =	veq.s32 v10, v8  }
0x271: {  	s16 =	sadd.s32 $0x40, s16;
	v11 =	vsel vm1, $0x3F800000, v3;
	v10 =	vmpcnt.ones.xlane vm0;
	s20 =	spop (v2sf)  }
0x272: {  	[tilespmem:s16+$0xFFFFFFE0] =	vst v11;
	s18 =	sadd.s32 s19, s20;
	s31 =	sadd.s32 $0x40, s15  }
0x273: {  	v54 =	vor.u32 s31, v4;
	[tilespmem:s18+$0x4800] =	vst.msk vm0, v9;
	(v2sf) =	vpush v10, $0x0  }
0x274: {  	[tilespmem:s18+$0x6880] =	vst.msk vm0, v54  }
0x275: {  	v9 =	vld [tilespmem:s17+$0xFFFFFFF0];
	_ =	sdelay $0x4  }
0x276: {  	vm8 =	vlt.s32 v9, $0x0  }
0x277: {  	v55 =	vsel vm8, $0x0, v5  }
0x278: {  	v9 =	vxor.u32 v9, v55  }
0x279: {  	v10 =	vshrl.u32 v9, $0x15  }
0x27a: {  	vm9 =	veq.s32 v10, v8  }
0x27b: {  	v56 =	vmpcnt.ones.xlane vm9;
	_ =	sdelay $0x1  }
0x27c: {  	vm1 =	vlt.s32 v10, v8;
	(v2sf) =	vpush v56, $0x0  }
0x27d: {  	v10 =	vsel vm1, $0x3F800000, v3;
	s21 =	spop (v2sf)  }
0x27e: {  	s22 =	sadd.s32 $0x10, s31;
	v9 =	vand.u32 $0x1FFFFF, v9;
	[tilespmem:s16+$0xFFFFFFF0] =	vst v10;
	s15 =	sadd.s32 s18, s21  }
0x27f: {  	v57 =	vor.u32 s22, v4;
	[tilespmem:s15+$0x4800] =	vst.msk vm9, v9  }
0x280: {  	[tilespmem:s15+$0x6880] =	vst.msk vm9, v57  }
0x281: {  	v9 =	vld [tilespmem:s17+$0x0];
	_ =	sdelay $0x4  }
0x282: {  	vm10 =	vlt.s32 v9, $0x0  }
0x283: {  	v58 =	vsel vm10, $0x0, v5  }
0x284: {  	v9 =	vxor.u32 v9, v58  }
0x285: {  	v10 =	vshrl.u32 v9, $0x15  }
0x286: {  	vm11 =	vlt.s32 v10, v8  }
0x287: {  	v59 =	vsel vm11, $0x3F800000, v3;
	s23 =	spop (v2sf)  }
0x288: {  	s24 =	sadd.s32 $0x20, s31;
	v9 =	vand.u32 $0x1FFFFF, v9;
	vm12 =	veq.s32 v10, v8;
	s15 =	sadd.s32 s15, s23;
	[tilespmem:s16+$0x0] =	vst v59  }
0x289: {  	v60 =	vor.u32 s24, v4;
	[tilespmem:s15+$0x4800] =	vst.msk vm12, v9  }
0x28a: {  	[tilespmem:s15+$0x6880] =	vst.msk vm12, v60  }
0x28b: {  	v9 =	vld [tilespmem:s17+$0x10];
	_ =	sdelay $0x4  }
0x28c: {  	vm13 =	vlt.s32 v9, $0x0  }
0x28d: {  	v61 =	vsel vm13, $0x0, v5  }
0x28e: {  	v9 =	vxor.u32 v9, v61  }
0x28f: {  	v10 =	vshrl.u32 v9, $0x15  }
0x290: {  	v62 =	vmpcnt.ones.xlane vm12;
	vm14 =	veq.s32 v10, v8  }
0x291: {  	v12 =	vmpcnt.ones.xlane vm14  }
0x292: {  	(v2sf) =	vpush v62, $0x0  }
0x293: {  	(v2sf) =	vpush v12, $0x0;
	_ =	sdelay $0xd  }
0x294: {  	s25 =	spop (v2sf)  }
0x295: {  	s17 =	sadd.s32 s15, s25;
	s26 =	spop (v2sf)  }
0x296: {  	s15 =	sadd.s32 s17, s26  }
0x297: {  	s28 =	sadd.s32 $0xF, s15  }
0x298: {  	s19 =	sadd.s32 $0x30, s31;
	s29 =	sand.u32 $0xF, s28  }
0x299: {  	vm15 =	vlt.s32 v10, v8;
	s30 =	sshra.s32 s28, $0x1F;
	p1 =	slt.s32 s28, $0x1;
	p0 =	sne.s32 s29, $0x0  }
.Ltmp32:
0x29a: {  	v8 =	vsel vm15, $0x3F800000, v3;
	s20 =	sshrl.u32 s30, $0x1C;
	p0 =	por !p1, !p0;
	(pc) =	sbr.rel .LBB2_45-.Ltmp32, $4  }
0x29b: {  	s18 =	simm.s32 $0x1;
	[tilespmem:s16+$0x10] =	vst v8;
	v8 =	vand.u32 $0x1FFFFF, v9;
	s31 =	sadd.s32 s20, s28;
	p0 =	por !p0, !p0  }
0x29c: {  	v63 =	vor.u32 s19, v4;
	[tilespmem:s17+$0x4800] =	vst.msk vm14, v8;
	s16 =	sshra.s32 s31, $0x4;
	s18 =	simm.s32 @!p0 $0x0  }
0x29d: {  	p2 =	sgt.s32 s14, $0x0;
	[tilespmem:s17+$0x6880] =	vst.msk vm14, v63;
	s18 =	ssub.s32 s16, s18  }
0x29e: {  	s19 =	simm.s32 $0x0;
	s17 =	simm.s32 $0x0;
	[tilespmem:s15+$0x4800] =	vst v6;
	p1 =	slt.s32 s18, $0x1  }
.LBB2_76:
0x29f: {  	s19 =	sadd.s32 $0x1, s19  }
0x2a0: {  	p0 =	seq.s32 s19, $0x15  }
.Ltmp33:
0x2a1: {  	_ = 	snop;
	(pc) =	sbr.rel @p0 .LBB2_73-.Ltmp33, $2  }
0x2a2: {  	_ =	sdelay $0x2  }
0x2a3: {  	s17 =	smov.u32 @p2 s20  }
.LBB2_45:
.Ltmp34:
0x2a4: {  	(pc) =	sbr.rel @p1 .LBB2_76-.Ltmp34, $3  }
0x2a5: {  	_ =	sdelay $0x1  }
0x2a6: {  	s16 =	sshrl.u32 s11, s19  }
0x2a7: {  	s20 =	sor.u32 s16, s17  }
0x2a8: {  	s16 =	simm.s32 $0x4800  }
0x2a9: {  	p0 =	sne.s32 s18, $0x1;
	v9 =	vld [tilespmem:s16+$0x0]  }
.Ltmp35:
0x2aa: {  	_ = 	snop;
	(pc) =	sbr.rel @!p0 .LBB2_47-.Ltmp35, $3  }
0x2ab: {  	_ =	sdelay $0x1  }
0x2ac: {  	s21 =	simm.s32 $0x0;
	v8 =	vmov s20;
	s22 =	simm.s32 $0x4810;
	p3 =	por $0x0, $0x0  }
0x2ad: {  	p4 =	por $0x0, $0x0;
	p5 =	por $0x0, $0x0;
	s16 =	sadd.s32 $0xFFFFFFFF, s18;
	vm0 =	vlt.s32 v9, v8  }
0x2ae: {  	v9 =	vld [tilespmem:s22+$0x0];
	p6 =	sne.s32 s16, $0x1  }
.Ltmp36:
0x2af: {  	_ = 	snop;
	(pc) =	sbr.rel @!p6 .LBB2_49-.Ltmp36, $3  }
0x2b0: {  	_ = 	snop  }
0x2b1: {  	v10 =	vmpcnt.ones.xlane vm0;
	_ =	sdelay $0x1  }
0x2b2: {  	s22 =	sadd.s32 $0xFFFFFFFF, s16;
	s23 =	simm.s32 $0x4820;
	p3 =	por $0x1, $0x1;
	(v2sf) =	vpush v10, $0x0;
	vm0 =	vlt.s32 v9, v8  }
0x2b3: {  	v10 =	vmpcnt.ones.xlane vm0;
	_ =	sdelay $0x1  }
0x2b4: {  	(v2sf) =	vpush v10, $0x0;
	_ =	sdelay $0x3  }
0x2b5: {  	v9 =	vld [tilespmem:s23+$0x0];
	p6 =	sne.s32 s22, $0x1  }
.Ltmp37:
0x2b6: {  	_ = 	snop;
	(pc) =	sbr.rel @!p6 .LBB2_51-.Ltmp37, $2  }
0x2b7: {  	_ =	sdelay $0x2  }
0x2b8: {  	s22 =	sadd.s32 $0xFFFFFFFF, s22;
	s23 =	simm.s32 $0x4830;
	p4 =	por $0x1, $0x1;
	vm0 =	vlt.s32 v9, v8  }
0x2b9: {  	v10 =	vmpcnt.ones.xlane vm0;
	_ =	sdelay $0x1  }
0x2ba: {  	(v2sf) =	vpush v10, $0x0;
	_ =	sdelay $0x2  }
0x2bb: {  	v9 =	vld [tilespmem:s23+$0x0];
	p6 =	sne.s32 s22, $0x1  }
.Ltmp38:
0x2bc: {  	_ = 	snop;
	(pc) =	sbr.rel @!p6 .LBB2_53-.Ltmp38, $3  }
0x2bd: {  	_ =	sdelay $0x1  }
0x2be: {  	s24 =	sadd.s32 $0xFFFFFFFF, s22;
	s25 =	simm.s32 $0x4840  }
0x2bf: {  	p5 =	por $0x1, $0x1;
	s22 =	simm.s32 $0x0;
	s23 =	spop (v2sf);
	vm0 =	vlt.s32 v9, v8  }
.LBB2_54:
0x2c0: {  	v9 =	vld [tilespmem:s25+$0x0];
	p6 =	sne.s32 s24, $0x1;
	s24 =	sadd.s32 $0xFFFFFFFF, s24;
	v10 =	vmpcnt.ones.xlane vm0;
	s22 =	sadd.s32 s22, s23  }
.Ltmp39:
0x2c1: {  	(pc) =	sbr.rel @p6 .LBB2_54-.Ltmp39, $2  }
0x2c2: {  	(v2sf) =	vpush v10, $0x0;
	_ =	sdelay $0x3  }
0x2c3: {  	s25 =	sadd.s32 $0x10, s25;
	vm0 =	vlt.s32 v9, v8;
	s23 =	spop (v2sf)  }
0x2c4: {  	_ = 	snop  }
.LBB2_56:
0x2c5: {  	v8 =	vmpcnt.ones.xlane vm0;
	_ =	sdelay $0x1  }
0x2c6: {  	(v2sf) =	vpush v8, $0x0;
	_ =	sdelay $0x9  }
0x2c7: {  	s22 =	sadd.s32 @p5 s22, s23;
	s23 =	spop @p4 (v2sf);
	s24 =	simm.s32 $0x0  }
0x2c8: {  	s19 =	sadd.s32 $0x1, s19;
	s23 =	smov.u32 @p4 s23;
	s24 =	smov.u32 @p5 s22  }
0x2c9: {  	s22 =	sadd.s32 @p4 s24, s23;
	s24 =	simm.s32 $0x0;
	s23 =	spop @p3 (v2sf)  }
0x2ca: {  	s24 =	smov.u32 @p4 s22;
	p4 =	seq.s32 s19, $0x15;
	s23 =	smov.u32 @p3 s23  }
.Ltmp40:
0x2cb: {  	s22 =	sadd.s32 @p3 s24, s23;
	(pc) =	sbr.rel @!p4 .LBB2_45-.Ltmp40, $4  }
.Ltmp41:
0x2cc: {  	s21 =	smov.u32 @p3 s22;
	s31 =	spop (v2sf);
	(pc) =	sbr.rel @p4 .LBB2_57-.Ltmp41, $4  }
0x2cd: {  	s21 =	sadd.s32 s21, s31  }
0x2ce: {  	p3 =	slt.s32 s21, s14  }
0x2cf: {  	s17 =	smov.u32 @p3 s20  }
0x2d0: {  	_ = 	snop  }
.LBB2_47:
.Ltmp42:
0x2d1: {  	(pc) =	sbr.rel .LBB2_56-.Ltmp42, $2  }
0x2d2: {  	_ =	sdelay $0x2  }
0x2d3: {  	s22 =	simm.s32 $0x0  }
.LBB2_49:
.Ltmp43:
0x2d4: {  	(pc) =	sbr.rel .LBB2_56-.Ltmp43, $2  }
0x2d5: {  	_ =	sdelay $0x2  }
0x2d6: {  	s22 =	simm.s32 $0x0  }
.LBB2_51:
.Ltmp44:
0x2d7: {  	(pc) =	sbr.rel .LBB2_56-.Ltmp44, $2  }
0x2d8: {  	_ =	sdelay $0x2  }
0x2d9: {  	s22 =	simm.s32 $0x0  }
.LBB2_53:
.Ltmp45:
0x2da: {  	(pc) =	sbr.rel .LBB2_56-.Ltmp45, $2  }
0x2db: {  	_ =	sdelay $0x2  }
0x2dc: {  	s22 =	simm.s32 $0x0  }
.LBB2_57:
0x2dd: {  	s18 =	simm.s32 $0x4800  }
0x2de: {  	v9 =	vld [tilespmem:s18+$0x0]  }
.Ltmp46:
0x2df: {  	_ = 	snop;
	(pc) =	sbr.rel @!p0 .LBB2_58-.Ltmp46, $3  }
0x2e0: {  	_ =	sdelay $0x1  }
0x2e1: {  	v8 =	vmov s17;
	s17 =	simm.s32 $0x0;
	p2 =	por $0x0, $0x0  }
0x2e2: {  	p3 =	por $0x0, $0x0;
	p1 =	por $0x0, $0x0;
	s18 =	simm.s32 $0x4810;
	vm0 =	vlt.s32 v9, v8  }
0x2e3: {  	v9 =	vld [tilespmem:s18+$0x0];
	p4 =	sne.s32 s16, $0x1  }
.Ltmp47:
0x2e4: {  	_ = 	snop;
	(pc) =	sbr.rel @!p4 .LBB2_60-.Ltmp47, $3  }
0x2e5: {  	_ = 	snop  }
0x2e6: {  	v10 =	vmpcnt.ones.xlane vm0;
	_ =	sdelay $0x1  }
0x2e7: {  	s18 =	sadd.s32 $0xFFFFFFFF, s16;
	s19 =	simm.s32 $0x4820;
	p2 =	por $0x1, $0x1;
	(v2sf) =	vpush v10, $0x0;
	vm0 =	vlt.s32 v9, v8  }
0x2e8: {  	v10 =	vmpcnt.ones.xlane vm0;
	_ =	sdelay $0x1  }
0x2e9: {  	(v2sf) =	vpush v10, $0x0;
	_ =	sdelay $0x3  }
0x2ea: {  	v9 =	vld [tilespmem:s19+$0x0];
	p4 =	sne.s32 s18, $0x1  }
.Ltmp48:
0x2eb: {  	_ = 	snop;
	(pc) =	sbr.rel @!p4 .LBB2_62-.Ltmp48, $2  }
0x2ec: {  	_ =	sdelay $0x2  }
0x2ed: {  	s18 =	sadd.s32 $0xFFFFFFFF, s18;
	s19 =	simm.s32 $0x4830;
	p3 =	por $0x1, $0x1;
	vm0 =	vlt.s32 v9, v8  }
0x2ee: {  	v10 =	vmpcnt.ones.xlane vm0;
	_ =	sdelay $0x1  }
0x2ef: {  	(v2sf) =	vpush v10, $0x0;
	_ =	sdelay $0x2  }
0x2f0: {  	v9 =	vld [tilespmem:s19+$0x0];
	p5 =	sne.s32 s18, $0x1  }
.Ltmp49:
0x2f1: {  	_ = 	snop;
	(pc) =	sbr.rel @!p5 .LBB2_64-.Ltmp49, $3  }
0x2f2: {  	_ =	sdelay $0x1  }
0x2f3: {  	s20 =	sadd.s32 $0xFFFFFFFF, s18;
	s21 =	simm.s32 $0x4840  }
0x2f4: {  	p4 =	por $0x1, $0x1;
	s18 =	simm.s32 $0x0;
	s19 =	spop (v2sf);
	vm0 =	vlt.s32 v9, v8  }
.LBB2_65:
0x2f5: {  	v9 =	vld [tilespmem:s21+$0x0];
	p5 =	sne.s32 s20, $0x1;
	s20 =	sadd.s32 $0xFFFFFFFF, s20;
	v10 =	vmpcnt.ones.xlane vm0;
	s18 =	sadd.s32 s18, s19  }
.Ltmp50:
0x2f6: {  	(pc) =	sbr.rel @p5 .LBB2_65-.Ltmp50, $2  }
0x2f7: {  	(v2sf) =	vpush v10, $0x0;
	_ =	sdelay $0x3  }
0x2f8: {  	s21 =	sadd.s32 $0x10, s21;
	vm0 =	vlt.s32 v9, v8;
	s19 =	spop (v2sf)  }
0x2f9: {  	_ = 	snop  }
.LBB2_67:
0x2fa: {  	v9 =	vmpcnt.ones.xlane vm0;
	_ =	sdelay $0x1  }
0x2fb: {  	(v2sf) =	vpush v9, $0x0;
	_ =	sdelay $0x9  }
0x2fc: {  	s18 =	sadd.s32 @p4 s18, s19;
	s19 =	spop @p3 (v2sf);
	s20 =	simm.s32 $0x0  }
0x2fd: {  	s19 =	smov.u32 @p3 s19;
	s20 =	smov.u32 @p4 s18  }
0x2fe: {  	s18 =	sadd.s32 @p3 s20, s19;
	s20 =	simm.s32 $0x0;
	s19 =	spop @p2 (v2sf)  }
0x2ff: {  	s20 =	smov.u32 @p3 s18;
	s19 =	smov.u32 @p2 s19  }
.Ltmp51:
0x300: {  	s18 =	sadd.s32 @p2 s20, s19;
	(pc) =	sbr.rel @!p0 .LBB2_68-.Ltmp51, $4  }
0x301: {  	s17 =	smov.u32 @p2 s18;
	s31 =	spop (v2sf)  }
0x302: {  	s17 =	sadd.s32 s17, s31  }
0x303: {  	s14 =	ssub.s32 s14, s17  }
0x304: {  	v10 =	vmov s15;
	s15 =	simm.s32 $0x0;
	s17 =	simm.s32 $0x4800;
	v9 =	vmov s14;
	s14 =	simm.s32 $0x6880  }
0x305: {  	v11 =	vld [tilespmem:s17+$0x0];
	_ =	sdelay $0x3  }
0x306: {  	v12 =	vor.u32 s15, v4  }
0x307: {  	vm0 =	vlt.s32 v12, v10;
	vm1 =	veq.s32 v11, v8  }
0x308: {  	vm1 =	vmand vm0, vm1  }
0x309: {  	v61 =	vmpcnt.ones.xlane vm1;
	v13 =	vsel vm1, $0x1, v0  }
0x30a: {  	(xrf0) =	vadd.scan.msk.s32 $0xffff, v13  }
0x30b: {  	(v2sf) =	vpush v61, $0x0;
	_ =	sdelay $0x4  }
0x30c: {  	v62, _, _ =	vpop (xrf0)  }
0x30d: {  	v12 =	vadd.s32 s15, v62  }
0x30e: {  	v63 =	vld [tilespmem:s14+$0x0];
	vm2 =	vlt.s32 v11, v8;
	vm3 =	vle.s32 v12, v9  }
0x30f: {  	vm0 =	vmand vm0, vm2;
	vm1 =	vmand vm1, vm3  }
0x310: {  	vm0 =	vmor vm0, vm1  }
0x311: {  	p0 =	sne.s32 s16, $0x1  }
.Ltmp52:
0x312: {  	_ = 	snop;
	(pc) =	sbr.rel @!p0 .LBB2_70-.Ltmp52, $4  }
0x313: {  	_ = 	snop  }
0x314: {  	s20 =	sadd.s32 $0xFFFFFFFF, s16  }
0x315: {  	s17 =	simm.s32 $0x4810;
	p1 =	por $0x1, $0x1;
	s16 =	simm.s32 $0x0  }
0x316: {  	s19 =	simm.s32 $0x0;
	s18 =	simm.s32 $0x6880;
	s21 =	spop (v2sf);
	[tilespmem:v63+s12+$0x0] =	vst.idx.msk vm0, v7  }
.LBB2_71:
0x317: {  	p0 =	sne.s32 s20, $0x1;
	v11 =	vld [tilespmem:s17+$0x0];
	s16 =	sadd.s32 s16, s21;
	_ =	sdelay $0x2  }
0x318: {  	s19 =	sadd.s32 $0x10, s19  }
0x319: {  	v12 =	vor.u32 s19, v4  }
0x31a: {  	vm0 =	vlt.s32 v12, v10;
	vm1 =	veq.s32 v11, v8  }
0x31b: {  	vm1 =	vmand vm0, vm1  }
0x31c: {  	v12 =	vsel vm1, $0x1, v0;
	v13 =	vmpcnt.ones.xlane vm1  }
0x31d: {  	(xrf0) =	vadd.scan.msk.s32 $0xffff, v12  }
0x31e: {  	(v2sf) =	vpush v13, $0x0;
	_ =	sdelay $0x4  }
0x31f: {  	v12, _, _ =	vpop (xrf0)  }
0x320: {  	s18 =	sadd.s32 $0x10, s18;
	v12 =	vadd.s32 s16, v12  }
0x321: {  	vm2 =	vlt.s32 v11, v8;
	v13 =	vld [tilespmem:s18+$0x0];
	vm3 =	vle.s32 v12, v9  }
0x322: {  	vm0 =	vmand vm0, vm2;
	vm1 =	vmand vm1, vm3  }
0x323: {  	vm0 =	vmor vm0, vm1;
	_ =	sdelay $0x1  }
.Ltmp53:
0x324: {  	(pc) =	sbr.rel @p0 .LBB2_71-.Ltmp53, $2  }
0x325: {  	_ =	sdelay $0x2  }
0x326: {  	s20 =	sadd.s32 $0xFFFFFFFF, s20;
	s17 =	sadd.s32 $0x10, s17;
	[tilespmem:v13+s12+$0x0] =	vst.idx.msk vm0, v7;
	s21 =	spop (v2sf)  }
.Ltmp54:
0x327: {  	_ = 	snop;
	(pc) =	sbr.rel .LBB2_72-.Ltmp54, $1  }
0x328: {  	_ =	sdelay $0x3  }
.LBB2_22:
.Ltmp55:
0x329: {  	(pc) =	sbr.rel .LBB2_31-.Ltmp55, $2  }
0x32a: {  	_ =	sdelay $0x2  }
0x32b: {  	s18 =	simm.s32 $0x0;
	p4 =	por $0x0, $0x0  }
.LBB2_32:
.Ltmp56:
0x32c: {  	(pc) =	sbr.rel .LBB2_36-.Ltmp56, $2  }
0x32d: {  	_ =	sdelay $0x2  }
0x32e: {  	s16 =	simm.s32 $0x0;
	s19 =	simm.s32 $0x0;
	s18 =	simm.s32 $0x6880  }
.LBB2_58:
.Ltmp57:
0x32f: {  	(pc) =	sbr.rel .LBB2_67-.Ltmp57, $2  }
0x330: {  	_ =	sdelay $0x2  }
0x331: {  	s18 =	simm.s32 $0x0;
	p4 =	por $0x0, $0x0  }
.LBB2_24:
.Ltmp58:
0x332: {  	(pc) =	sbr.rel .LBB2_31-.Ltmp58, $2  }
0x333: {  	_ =	sdelay $0x2  }
0x334: {  	s18 =	simm.s32 $0x0;
	p4 =	por $0x0, $0x0  }
.LBB2_34:
.Ltmp59:
0x335: {  	(pc) =	sbr.rel .LBB2_36-.Ltmp59, $2  }
0x336: {  	_ =	sdelay $0x2  }
0x337: {  	s16 =	simm.s32 $0x0;
	s19 =	simm.s32 $0x0;
	s18 =	simm.s32 $0x6880  }
.LBB2_60:
.Ltmp60:
0x338: {  	(pc) =	sbr.rel .LBB2_67-.Ltmp60, $2  }
0x339: {  	_ =	sdelay $0x2  }
0x33a: {  	s18 =	simm.s32 $0x0;
	p4 =	por $0x0, $0x0  }
.LBB2_70:
.Ltmp61:
0x33b: {  	(pc) =	sbr.rel .LBB2_72-.Ltmp61, $2  }
0x33c: {  	_ =	sdelay $0x2  }
0x33d: {  	s16 =	simm.s32 $0x0;
	s19 =	simm.s32 $0x0;
	s18 =	simm.s32 $0x6880  }
.LBB2_26:
.Ltmp62:
0x33e: {  	(pc) =	sbr.rel .LBB2_31-.Ltmp62, $2  }
0x33f: {  	_ =	sdelay $0x2  }
0x340: {  	s18 =	simm.s32 $0x0;
	p4 =	por $0x0, $0x0  }
.LBB2_62:
.Ltmp63:
0x341: {  	(pc) =	sbr.rel .LBB2_67-.Ltmp63, $2  }
0x342: {  	_ =	sdelay $0x2  }
0x343: {  	s18 =	simm.s32 $0x0;
	p4 =	por $0x0, $0x0  }
.LBB2_28:
.Ltmp64:
0x344: {  	(pc) =	sbr.rel .LBB2_31-.Ltmp64, $2  }
0x345: {  	_ =	sdelay $0x2  }
0x346: {  	s18 =	simm.s32 $0x0  }
.LBB2_64:
.Ltmp65:
0x347: {  	(pc) =	sbr.rel .LBB2_67-.Ltmp65, $2  }
0x348: {  	_ =	sdelay $0x2  }
0x349: {  	s18 =	simm.s32 $0x0  }
.LBB2_74:
0x34a: {  	_ =	sfence.sel $0x180000  }
0x34b: {  	[bflag:$0x0] =	sbarrier.arrive $0xFFFF  }
0x34c: {  	p0 =	sne.s32 s1, $0x0;
	_ =	strace $0x90000047  }
0x34d: {  	s0 =	sadd.s32 @!p0 $0x100000, s0;
	[bflag:$0x2] =	sbarrier.arrive $0xFFFF  }
0x34e: {  	[sflag:s0] =	ssyncadd.tile.s32 @!p0 $0x1;
	_ =	shalt  }
.Lfunc_end2:
_tile_overlayer_lowered:
.L_overlay_start_2:
0x34f: {  	(tag) =	ssettag $0x2  }
0x350: {  	s0 =	rddreg [dreg:$0x0];
	s2 =	stileid.u32  }
0x351: {  	s1 =	rddreg [dreg:$0x1];
	p0 =	sne.s32 s2, $0x0  }
0x352: {  	s3 =	rddreg [dreg:$0x2];
	[bflag:$0x3] =	sbarrier.arrive $0xFFFF;
	s2 =	simm.s32 @!p0 $0x1C01  }
0x353: {  	[timem:s3], [sflag:s2] =	dma.local @!p0 [hbm:s0], s1  }
0x354: {  	s0 =	simm.s32 @!p0 $0x1  }
0x355: {  	_ =	swait.ge @!p0 [sflag:s0], s1  }
0x356: {  	s1 =	ssub.s32 @!p0 $0x0, s1;
	[sflag:s0] =	ssyncset.done @!p0 $0x0  }
0x357: {  	[sflag:s0] =	ssyncadd.s32 @!p0 s1  }
0x358: {  	[bflag:$0x3] =	sbarrier.arrive $0xFFFF  }
0x359: {  	_ =	shalt  }

</sc_bundles>
